<compile_context>
chip_gen: v7x
topology: tpu7x:2x2x1
jax: 0.10.2.dev20260603
libtpu: 0.0.44.dev20260713+nightly
codegen_flags: <defaults>
</compile_context>

<pallas_src>
import functools

import jax
import jax.numpy as jnp
from jax import lax
from jax.experimental import pallas as pl
from jax.experimental.pallas import tpu as pltpu
from jax.experimental.pallas import tpu_sc as plsc

NC = 2
NS = 16
LN = 16

_f32 = jnp.float32


def _fill(ref, n, value):
    v = jnp.full((LN,), value, dtype=_f32)

    def body(i, _):
        ref[pl.ds(i * LN, LN)] = v
        return _

    lax.fori_loop(0, n // LN, body, None)


@functools.lru_cache(maxsize=None)
def _make_seg_kernel(n_nodes, n_edges, d, with_deg, n_pad):
    n_tiles = NC * NS
    per_tile = n_edges // n_tiles
    assert n_edges % n_tiles == 0
    CH = 80
    assert per_tile % CH == 0
    n_chunks = per_tile // CH
    ZR = 125
    rows_sub = 1000
    n_writers = n_nodes // rows_sub
    assert n_nodes % rows_sub == 0 and n_writers <= NS
    assert rows_sub % ZR == 0
    deg_sub = n_pad // NS
    assert n_pad % NS == 0 and deg_sub % LN == 0

    mesh = plsc.VectorSubcoreMesh(core_axis_name="c", subcore_axis_name="s")

    out_type = [jax.ShapeDtypeStruct((NC, n_nodes, d), _f32)]
    scratch = [
        pltpu.VMEM_SHARED((n_nodes, d), _f32),
        pltpu.VMEM((ZR, d), _f32),
        pltpu.VMEM((CH,), jnp.int32),
        pltpu.VMEM((CH,), jnp.int32),
        pltpu.VMEM((CH, d), _f32),
        pltpu.SemaphoreType.DMA,
    ]
    if with_deg:
        out_type.append(jax.ShapeDtypeStruct((NC, n_pad), _f32))
        scratch += [
            pltpu.VMEM_SHARED((n_pad,), _f32),
            pltpu.VMEM((deg_sub,), _f32),
            pltpu.VMEM((CH,), _f32),
        ]

    def body(y_hbm, src_hbm, dst_hbm, *refs):
        if with_deg:
            (acc_out, deg_out, acc_sh, zbuf, srcv, dstv, rows, sem,
             deg_sh, degz, ones) = refs
        else:
            acc_out, acc_sh, zbuf, srcv, dstv, rows, sem = refs
        c = lax.axis_index("c")
        s = lax.axis_index("s")

        zero16 = jnp.zeros((LN,), _f32)

        def zrow(i, _):
            for q in range(d // LN):
                zbuf[i, pl.ds(q * LN, LN)] = zero16
            return _

        lax.fori_loop(0, ZR, zrow, None)
        if with_deg:
            _fill(degz, deg_sub, 0.0)
            _fill(ones, CH, 1.0)

        nbase = s * rows_sub

        @pl.when(s < n_writers)
        def _zero():
            for k in range(rows_sub // ZR):
                pltpu.sync_copy(zbuf, acc_sh.at[pl.ds(nbase + k * ZR, ZR)])

        if with_deg:
            pltpu.sync_copy(degz, deg_sh.at[pl.ds(s * deg_sub, deg_sub)])
        plsc.subcore_barrier()

        ebase = (c * NS + s) * per_tile

        def chunk(j, _):
            off = ebase + j * CH
            pltpu.sync_copy(src_hbm.at[pl.ds(off, CH)], srcv)
            pltpu.sync_copy(dst_hbm.at[pl.ds(off, CH)], dstv)
            pltpu.async_copy(y_hbm.at[srcv], rows, sem).wait()
            pltpu.sync_copy(rows, acc_sh.at[dstv], add=True)
            if with_deg:
                pltpu.sync_copy(ones, deg_sh.at[dstv], add=True)
            return _

        lax.fori_loop(0, n_chunks, chunk, None)
        plsc.subcore_barrier()

        @pl.when(s < n_writers)
        def _writeout():
            pltpu.sync_copy(acc_sh.at[pl.ds(nbase, rows_sub)],
                            acc_out.at[c, pl.ds(nbase, rows_sub)])

        if with_deg:
            pltpu.sync_copy(deg_sh.at[pl.ds(s * deg_sub, deg_sub)],
                            deg_out.at[c, pl.ds(s * deg_sub, deg_sub)])

    return pl.kernel(body, out_type=out_type, mesh=mesh, scratch_types=scratch,
                     compiler_params=pltpu.CompilerParams(use_tc_tiling_on_sc=False),
                     name=f"sc_segsum_d{d}")


@functools.lru_cache(maxsize=None)
def _make_score_kernel(n_nodes, d, l_pad):
    n_tiles = NC * NS
    CH = 128
    per_tile = l_pad // n_tiles
    assert l_pad % (n_tiles * CH) == 0
    n_chunks = per_tile // CH

    mesh = plsc.VectorSubcoreMesh(core_axis_name="c", subcore_axis_name="s")
    scratch = [
        pltpu.VMEM((CH,), jnp.int32),
        pltpu.VMEM((CH,), jnp.int32),
        pltpu.VMEM((CH, d), _f32),
        pltpu.VMEM((CH, d), _f32),
        pltpu.VMEM((CH, LN), _f32),
        pltpu.SemaphoreType.DMA,
    ]

    def body(h_hbm, a_hbm, b_hbm, out_hbm, ia, ib, ra, rb, outv, sem):
        c = lax.axis_index("c")
        s = lax.axis_index("s")
        base = (c * NS + s) * per_tile

        def chunk(j, _):
            off = base + j * CH
            pltpu.sync_copy(a_hbm.at[pl.ds(off, CH)], ia)
            pltpu.sync_copy(b_hbm.at[pl.ds(off, CH)], ib)
            pltpu.async_copy(h_hbm.at[ia], ra, sem).wait()
            pltpu.async_copy(h_hbm.at[ib], rb, sem).wait()

            def edge(e, _):
                acc = ra[e, pl.ds(0, LN)] * rb[e, pl.ds(0, LN)]
                for q in range(1, d // LN):
                    acc = acc + (ra[e, pl.ds(q * LN, LN)]
                                 * rb[e, pl.ds(q * LN, LN)])
                outv[e, :] = acc
                return _

            lax.fori_loop(0, CH, edge, None)
            pltpu.sync_copy(outv, out_hbm.at[pl.ds(off, CH)])
            return _

        lax.fori_loop(0, n_chunks, chunk, None)

    return pl.kernel(body, out_type=jax.ShapeDtypeStruct((l_pad, LN), _f32),
                     mesh=mesh, scratch_types=scratch,
                     compiler_params=pltpu.CompilerParams(use_tc_tiling_on_sc=False),
                     name="sc_score")


def _tc_pre(x, wl, wr, b):
    n, din = x.shape
    dh = wl.shape[1]
    R = 2000
    assert n % R == 0

    def body(x_ref, wl_ref, wr_ref, b_ref, y_ref, r_ref):
        xb = x_ref[...]
        y_ref[...] = jnp.dot(xb, wl_ref[...], preferred_element_type=_f32)
        r_ref[...] = (jnp.dot(xb, wr_ref[...], preferred_element_type=_f32)
                      + b_ref[...])

    return pl.pallas_call(
        body,
        grid=(n // R,),
        in_specs=[
            pl.BlockSpec((R, din), lambda i: (i, 0)),
            pl.BlockSpec((din, dh), lambda i: (0, 0)),
            pl.BlockSpec((din, dh), lambda i: (0, 0)),
            pl.BlockSpec((1, dh), lambda i: (0, 0)),
        ],
        out_specs=[
            pl.BlockSpec((R, dh), lambda i: (i, 0)),
            pl.BlockSpec((R, dh), lambda i: (i, 0)),
        ],
        out_shape=[jax.ShapeDtypeStruct((n, dh), _f32)] * 2,
    )(x, wl, wr, b.reshape(1, -1))


def _tc_mid(p, degp, r1, wl, wr, b):
    _, n, dh = p.shape
    do = wl.shape[1]
    R = 2000
    assert n % R == 0

    def body(p_ref, dg_ref, r1_ref, wl_ref, wr_ref, b_ref, y_ref, r_ref):
        deg = dg_ref[:, 0:1] + dg_ref[:, 1:2]
        rdeg = 1.0 / jnp.maximum(deg, 1.0)
        agg = (p_ref[0] + p_ref[1]) * rdeg
        h1 = jnp.maximum(agg + r1_ref[...], 0.0)
        y_ref[...] = jnp.dot(h1, wl_ref[...], preferred_element_type=_f32)
        r_ref[...] = (jnp.dot(h1, wr_ref[...], preferred_element_type=_f32)
                      + b_ref[...])

    return pl.pallas_call(
        body,
        grid=(n // R,),
        in_specs=[
            pl.BlockSpec((NC, R, dh), lambda i: (0, i, 0)),
            pl.BlockSpec((R, NC), lambda i: (i, 0)),
            pl.BlockSpec((R, dh), lambda i: (i, 0)),
            pl.BlockSpec((dh, do), lambda i: (0, 0)),
            pl.BlockSpec((dh, do), lambda i: (0, 0)),
            pl.BlockSpec((1, do), lambda i: (0, 0)),
        ],
        out_specs=[
            pl.BlockSpec((R, do), lambda i: (i, 0)),
            pl.BlockSpec((R, do), lambda i: (i, 0)),
        ],
        out_shape=[jax.ShapeDtypeStruct((n, do), _f32)] * 2,
    )(p, degp, r1, wl, wr, b.reshape(1, -1))


def _tc_post(p, degp, r2):
    _, n, do = p.shape
    R = 2000
    assert n % R == 0

    def body(p_ref, dg_ref, r2_ref, h_ref):
        deg = dg_ref[:, 0:1] + dg_ref[:, 1:2]
        rdeg = 1.0 / jnp.maximum(deg, 1.0)
        h_ref[...] = (p_ref[0] + p_ref[1]) * rdeg + r2_ref[...]

    return pl.pallas_call(
        body,
        grid=(n // R,),
        in_specs=[
            pl.BlockSpec((NC, R, do), lambda i: (0, i, 0)),
            pl.BlockSpec((R, NC), lambda i: (i, 0)),
            pl.BlockSpec((R, do), lambda i: (i, 0)),
        ],
        out_specs=pl.BlockSpec((R, do), lambda i: (i, 0)),
        out_shape=jax.ShapeDtypeStruct((n, do), _f32),
    )(p, degp, r2)


def _tc_lane_reduce(parts):
    l_pad = parts.shape[0]
    R = 6400
    assert l_pad % R == 0

    def body(p_ref, o_ref):
        o_ref[...] = jnp.sum(p_ref[...], axis=1, keepdims=True)

    return pl.pallas_call(
        body,
        grid=(l_pad // R,),
        in_specs=[pl.BlockSpec((R, LN), lambda i: (i, 0))],
        out_specs=pl.BlockSpec((R, 1), lambda i: (i, 0)),
        out_shape=jax.ShapeDtypeStruct((l_pad, 1), _f32),
    )(parts)


def kernel(node_feature, edge_index, edge_label_index, W1l, W1r, b1, W2l, W2r, b2):
    n, din = node_feature.shape
    dh = W1l.shape[1]
    do = W2l.shape[1]
    n_edges = edge_index.shape[1]
    n_lbl = edge_label_index.shape[1]

    src = edge_index[0]
    dst = edge_index[1]

    n_pad = ((n + NS * LN - 1) // (NS * LN)) * (NS * LN)

    y1, r1 = _tc_pre(node_feature, W1l, W1r, b1)
    p1, degp = _make_seg_kernel(n, n_edges, dh, True, n_pad)(y1, src, dst)
    degp = degp.T[:n]
    y2, r2 = _tc_mid(p1, degp, r1, W2l, W2r, b2)

    (p2,) = _make_seg_kernel(n, n_edges, do, False, n_pad)(y2, src, dst)
    h2 = _tc_post(p2, degp, r2)

    tile_ch = NC * NS * 128
    l_pad = ((n_lbl + tile_ch - 1) // tile_ch) * tile_ch
    a = jnp.pad(edge_label_index[0], (0, l_pad - n_lbl))
    b = jnp.pad(edge_label_index[1], (0, l_pad - n_lbl))
    parts = _make_score_kernel(n, do, l_pad)(h2, a, b)
    pred = _tc_lane_reduce(parts)
    return pred.reshape(-1)[:n_lbl]

# --- scband reference (transcript-rebuilt; emitter-appended) ---
"""Pipeline reference for scband-link-pred-model-88433376625434 (READ-ONLY COPY).

The authoritative reference and input builder live on the scoring server;
editing this copy changes nothing except your own understanding.
"""

import jax, jax.numpy as jnp
import numpy as np

N = 10000
E = 320000
L = 100000
D_IN = 128
D_H = 128
D_OUT = 64


def setup_inputs(seed: int = 0) -> dict:
    key = jax.random.key(seed)
    ks = jax.random.split(key, 10)
    node_feature = jax.random.normal(ks[0], (N, D_IN), dtype=jnp.float32)
    edge_index = jax.random.randint(ks[1], (2, E), 0, N, dtype=jnp.int32)
    edge_label_index = jax.random.randint(ks[2], (2, L), 0, N, dtype=jnp.int32)
    # SAGEConv params: lin_l (aggregated neighbors, with bias), lin_r (root, no bias)
    s1 = 1.0 / np.sqrt(D_IN)
    s2 = 1.0 / np.sqrt(D_H)
    W1l = jax.random.uniform(ks[3], (D_IN, D_H), dtype=jnp.float32, minval=-s1, maxval=s1)
    W1r = jax.random.uniform(ks[4], (D_IN, D_H), dtype=jnp.float32, minval=-s1, maxval=s1)
    b1 = jax.random.uniform(ks[5], (D_H,), dtype=jnp.float32, minval=-s1, maxval=s1)
    W2l = jax.random.uniform(ks[6], (D_H, D_OUT), dtype=jnp.float32, minval=-s2, maxval=s2)
    W2r = jax.random.uniform(ks[7], (D_H, D_OUT), dtype=jnp.float32, minval=-s2, maxval=s2)
    b2 = jax.random.uniform(ks[8], (D_OUT,), dtype=jnp.float32, minval=-s2, maxval=s2)
    return {
        "node_feature": node_feature,
        "edge_index": edge_index,
        "edge_label_index": edge_label_index,
        "W1l": W1l, "W1r": W1r, "b1": b1,
        "W2l": W2l, "W2r": W2r, "b2": b2,
    }


def _sage_conv(x, src, dst, Wl, Wr, b):
    # GraphSAGE with mean aggregation: out = mean_{j in N(i)} x_j @ Wl + x_i @ Wr + b
    msgs = jnp.take(x, src, axis=0)
    agg = jax.ops.segment_sum(msgs, dst, num_segments=N)
    deg = jax.ops.segment_sum(jnp.ones((src.shape[0],), dtype=x.dtype), dst, num_segments=N)
    agg = agg / jnp.clip(deg, 1.0, None)[:, None]
    return agg @ Wl + x @ Wr + b


def reference(node_feature, edge_index, edge_label_index, W1l, W1r, b1, W2l, W2r, b2):
    src = edge_index[0]
    dst = edge_index[1]
    h = _sage_conv(node_feature, src, dst, W1l, W1r, b1)
    h = jax.nn.relu(h)
    # dropout is identity in eval mode
    h = _sage_conv(h, src, dst, W2l, W2r, b2)
    sp_edges = jnp.take(h, edge_label_index, axis=0)  # [2, L, D_OUT]
    source_nodes = sp_edges[0]
    destination_nodes = sp_edges[1]
    pred = (source_nodes * destination_nodes).sum(axis=1)
    return pred

if __name__ == "__main__":
    import jax
    _d = setup_inputs()
    print(jax.jit(kernel)(*tuple(_d.values())))

</pallas_src>

<mosaic_0001>
#map = affine_map<(d0, d1) -> (0, 0)>
#map1 = affine_map<(d0, d1) -> (0)>
#map2 = affine_map<(d0, d1) -> (0, 0, 0)>
module attributes {stable_mosaic.version = 14 : i64} {
  func.func @sc_segsum_d64(%arg0: i32, %arg1: i32, %arg2: memref<10000x64xf32, #tpu.memory_space<hbm>>, %arg3: memref<320000xi32, #tpu.memory_space<hbm>>, %arg4: memref<320000xi32, #tpu.memory_space<hbm>>, %arg5: memref<2x10000x64xf32, #tpu.memory_space<hbm>>, %arg6: memref<10000x64xf32, #tpu.memory_space<vmem_shared>>, %arg7: memref<125x64xf32, #tpu.memory_space<vmem>>, %arg8: memref<80xi32, #tpu.memory_space<vmem>>, %arg9: memref<80xi32, #tpu.memory_space<vmem>>, %arg10: memref<80x64xf32, #tpu.memory_space<vmem>>, %arg11: memref<!tpu.dma_semaphore, #tpu.memory_space<semaphore_mem>>) attributes {dimension_semantics = [#tpu.dimension_semantics<core_parallel>, #tpu.dimension_semantics<subcore_parallel>], iteration_bounds = array<i64: 2, 16>, scalar_prefetch = 0 : i64, scratch_operands = 6 : i64, tpu.core_type = #tpu.core_type<sc_vector_subcore>, window_params = [{transform_indices = #map}, {transform_indices = #map1}, {transform_indices = #map1}, {transform_indices = #map2}]} {
    %broadcast_in_dim3A = arith.constant 0.000000e+00 : f32
    %broadcast_in_dim3A_0 = vector.broadcast %broadcast_in_dim3A : f32 to vector<16xf32>
    %scan3A = arith.constant 0 : i32
    %scan3A_1 = arith.constant 125 : i32
    %scan3A_2 = arith.addi %scan3A, %scan3A_1 : i32
    %scan3A_3 = arith.constant 1 : i32
    scf.for %scan3A_23 = %scan3A to %scan3A_2 step %scan3A_3  : i32 {
      %swap3A = arith.index_cast %scan3A_23 : i32 to index
      %swap3A_24 = arith.constant 0 : index
      %swap3A_25 = tpu.vector_load %arg7[%swap3A, %swap3A_24] {strides = array<i32>} : memref<125x64xf32, #tpu.memory_space<vmem>>, vector<1x16xf32>,
      %swap3A_26 = vector.shape_cast %swap3A_25 : vector<1x16xf32> to vector<16xf32>
      %swap3A_27 = vector.shape_cast %broadcast_in_dim3A_0 : vector<16xf32> to vector<1x16xf32>
      tpu.vector_store %arg7[%swap3A, %swap3A_24], %swap3A_27 {strides = array<i32>} : memref<125x64xf32, #tpu.memory_space<vmem>>, vector<1x16xf32>,
      %swap3A_28 = arith.index_cast %scan3A_23 : i32 to index
      %swap3A_29 = arith.constant 16 : index
      %swap3A_30 = tpu.vector_load %arg7[%swap3A_28, %swap3A_29] {strides = array<i32>} : memref<125x64xf32, #tpu.memory_space<vmem>>, vector<1x16xf32>,
      %swap3A_31 = vector.shape_cast %swap3A_30 : vector<1x16xf32> to vector<16xf32>
      %swap3A_32 = vector.shape_cast %broadcast_in_dim3A_0 : vector<16xf32> to vector<1x16xf32>
      tpu.vector_store %arg7[%swap3A_28, %swap3A_29], %swap3A_32 {strides = array<i32>} : memref<125x64xf32, #tpu.memory_space<vmem>>, vector<1x16xf32>,
      %swap3A_33 = arith.index_cast %scan3A_23 : i32 to index
      %swap3A_34 = arith.constant 32 : index
      %swap3A_35 = tpu.vector_load %arg7[%swap3A_33, %swap3A_34] {strides = array<i32>} : memref<125x64xf32, #tpu.memory_space<vmem>>, vector<1x16xf32>,
      %swap3A_36 = vector.shape_cast %swap3A_35 : vector<1x16xf32> to vector<16xf32>
      %swap3A_37 = vector.shape_cast %broadcast_in_dim3A_0 : vector<16xf32> to vector<1x16xf32>
      tpu.vector_store %arg7[%swap3A_33, %swap3A_34], %swap3A_37 {strides = array<i32>} : memref<125x64xf32, #tpu.memory_space<vmem>>, vector<1x16xf32>,
      %swap3A_38 = arith.index_cast %scan3A_23 : i32 to index
      %swap3A_39 = arith.constant 48 : index
      %swap3A_40 = tpu.vector_load %arg7[%swap3A_38, %swap3A_39] {strides = array<i32>} : memref<125x64xf32, #tpu.memory_space<vmem>>, vector<1x16xf32>,
      %swap3A_41 = vector.shape_cast %swap3A_40 : vector<1x16xf32> to vector<16xf32>
      %swap3A_42 = vector.shape_cast %broadcast_in_dim3A_0 : vector<16xf32> to vector<1x16xf32>
      tpu.vector_store %arg7[%swap3A_38, %swap3A_39], %swap3A_42 {strides = array<i32>} : memref<125x64xf32, #tpu.memory_space<vmem>>, vector<1x16xf32>,
    }
    %scan3A_4 = arith.constant 125 : i32
    %mul3A = arith.constant 1000 : i32
    %mul3A_5 = arith.muli %arg1, %mul3A : i32
    %lt3A = arith.constant 10 : i32
    %lt3A_6 = arith.cmpi slt, %arg1, %lt3A : i32
    %convert_element_type3A = arith.extui %lt3A_6 : i1 to i32
    %cond3A = arith.constant 0 : i32
    %cond3A_7 = arith.cmpi ne, %convert_element_type3A, %cond3A : i32
    scf.if %cond3A_7 {
      %add3A_23 = arith.constant 0 : i32
      %add3A_24 = arith.addi %mul3A_5, %add3A_23 : i32
      "tpu.region"() ({
        %run_scoped3A = tpu.sem_alloc : memref<!tpu.dma_semaphore, #tpu.memory_space<semaphore_mem>>
        %dma_start3A = arith.constant 0 : i32
        %dma_start3A_39 = tpu.memref_slice %arg6[%add3A_24, %dma_start3A] : memref<10000x64xf32, #tpu.memory_space<vmem_shared>> -> memref<125x64xf32, #tpu.memory_space<vmem_shared>>
        %dma_start3A_40 = arith.constant 0 : i32
        %dma_start3A_41 = tpu.memref_slice %arg6[%add3A_24, %dma_start3A_40] : memref<10000x64xf32, #tpu.memory_space<vmem_shared>> -> memref<125x64xf32, #tpu.memory_space<vmem_shared>>
        tpu.enqueue_dma source(%arg7 : memref<125x64xf32, #tpu.memory_space<vmem>>) target(%dma_start3A_41 : memref<125x64xf32, #tpu.memory_space<vmem_shared>>) target_semaphore(%run_scoped3A : memref<!tpu.dma_semaphore, #tpu.memory_space<semaphore_mem>>)
        %dma_wait3A = arith.constant 0 : i32
        %dma_wait3A_42 = tpu.memref_slice %arg6[%add3A_24, %dma_wait3A] : memref<10000x64xf32, #tpu.memory_space<vmem_shared>> -> memref<125x64xf32, #tpu.memory_space<vmem_shared>>
        %dma_wait3A_43 = arith.constant 0 : i32
        %dma_wait3A_44 = tpu.memref_slice %arg6[%add3A_24, %dma_wait3A_43] : memref<10000x64xf32, #tpu.memory_space<vmem_shared>> -> memref<125x64xf32, #tpu.memory_space<vmem_shared>>
        tpu.wait_dma2 semaphore(%run_scoped3A : memref<!tpu.dma_semaphore, #tpu.memory_space<semaphore_mem>>) src(%arg7 : memref<125x64xf32, #tpu.memory_space<vmem>>) dst(%dma_wait3A_44 : memref<125x64xf32, #tpu.memory_space<vmem_shared>>)
        tpu.yield
      }) : () -> ()
      %add3A_25 = arith.constant 125 : i32
      %add3A_26 = arith.addi %mul3A_5, %add3A_25 : i32
      "tpu.region"() ({
        %run_scoped3A = tpu.sem_alloc : memref<!tpu.dma_semaphore, #tpu.memory_space<semaphore_mem>>
        %dma_start3A = arith.constant 0 : i32
        %dma_start3A_39 = tpu.memref_slice %arg6[%add3A_26, %dma_start3A] : memref<10000x64xf32, #tpu.memory_space<vmem_shared>> -> memref<125x64xf32, #tpu.memory_space<vmem_shared>>
        %dma_start3A_40 = arith.constant 0 : i32
        %dma_start3A_41 = tpu.memref_slice %arg6[%add3A_26, %dma_start3A_40] : memref<10000x64xf32, #tpu.memory_space<vmem_shared>> -> memref<125x64xf32, #tpu.memory_space<vmem_shared>>
        tpu.enqueue_dma source(%arg7 : memref<125x64xf32, #tpu.memory_space<vmem>>) target(%dma_start3A_41 : memref<125x64xf32, #tpu.memory_space<vmem_shared>>) target_semaphore(%run_scoped3A : memref<!tpu.dma_semaphore, #tpu.memory_space<semaphore_mem>>)
        %dma_wait3A = arith.constant 0 : i32
        %dma_wait3A_42 = tpu.memref_slice %arg6[%add3A_26, %dma_wait3A] : memref<10000x64xf32, #tpu.memory_space<vmem_shared>> -> memref<125x64xf32, #tpu.memory_space<vmem_shared>>
        %dma_wait3A_43 = arith.constant 0 : i32
        %dma_wait3A_44 = tpu.memref_slice %arg6[%add3A_26, %dma_wait3A_43] : memref<10000x64xf32, #tpu.memory_space<vmem_shared>> -> memref<125x64xf32, #tpu.memory_space<vmem_shared>>
        tpu.wait_dma2 semaphore(%run_scoped3A : memref<!tpu.dma_semaphore, #tpu.memory_space<semaphore_mem>>) src(%arg7 : memref<125x64xf32, #tpu.memory_space<vmem>>) dst(%dma_wait3A_44 : memref<125x64xf32, #tpu.memory_space<vmem_shared>>)
        tpu.yield
      }) : () -> ()
      %add3A_27 = arith.constant 250 : i32
      %add3A_28 = arith.addi %mul3A_5, %add3A_27 : i32
      "tpu.region"() ({
        %run_scoped3A = tpu.sem_alloc : memref<!tpu.dma_semaphore, #tpu.memory_space<semaphore_mem>>
        %dma_start3A = arith.constant 0 : i32
        %dma_start3A_39 = tpu.memref_slice %arg6[%add3A_28, %dma_start3A] : memref<10000x64xf32, #tpu.memory_space<vmem_shared>> -> memref<125x64xf32, #tpu.memory_space<vmem_shared>>
        %dma_start3A_40 = arith.constant 0 : i32
        %dma_start3A_41 = tpu.memref_slice %arg6[%add3A_28, %dma_start3A_40] : memref<10000x64xf32, #tpu.memory_space<vmem_shared>> -> memref<125x64xf32, #tpu.memory_space<vmem_shared>>
        tpu.enqueue_dma source(%arg7 : memref<125x64xf32, #tpu.memory_space<vmem>>) target(%dma_start3A_41 : memref<125x64xf32, #tpu.memory_space<vmem_shared>>) target_semaphore(%run_scoped3A : memref<!tpu.dma_semaphore, #tpu.memory_space<semaphore_mem>>)
        %dma_wait3A = arith.constant 0 : i32
        %dma_wait3A_42 = tpu.memref_slice %arg6[%add3A_28, %dma_wait3A] : memref<10000x64xf32, #tpu.memory_space<vmem_shared>> -> memref<125x64xf32, #tpu.memory_space<vmem_shared>>
        %dma_wait3A_43 = arith.constant 0 : i32
        %dma_wait3A_44 = tpu.memref_slice %arg6[%add3A_28, %dma_wait3A_43] : memref<10000x64xf32, #tpu.memory_space<vmem_shared>> -> memref<125x64xf32, #tpu.memory_space<vmem_shared>>
        tpu.wait_dma2 semaphore(%run_scoped3A : memref<!tpu.dma_semaphore, #tpu.memory_space<semaphore_mem>>) src(%arg7 : memref<125x64xf32, #tpu.memory_space<vmem>>) dst(%dma_wait3A_44 : memref<125x64xf32, #tpu.memory_space<vmem_shared>>)
        tpu.yield
      }) : () -> ()
      %add3A_29 = arith.constant 375 : i32
      %add3A_30 = arith.addi %mul3A_5, %add3A_29 : i32
      "tpu.region"() ({
        %run_scoped3A = tpu.sem_alloc : memref<!tpu.dma_semaphore, #tpu.memory_space<semaphore_mem>>
        %dma_start3A = arith.constant 0 : i32
        %dma_start3A_39 = tpu.memref_slice %arg6[%add3A_30, %dma_start3A] : memref<10000x64xf32, #tpu.memory_space<vmem_shared>> -> memref<125x64xf32, #tpu.memory_space<vmem_shared>>
        %dma_start3A_40 = arith.constant 0 : i32
        %dma_start3A_41 = tpu.memref_slice %arg6[%add3A_30, %dma_start3A_40] : memref<10000x64xf32, #tpu.memory_space<vmem_shared>> -> memref<125x64xf32, #tpu.memory_space<vmem_shared>>
        tpu.enqueue_dma source(%arg7 : memref<125x64xf32, #tpu.memory_space<vmem>>) target(%dma_start3A_41 : memref<125x64xf32, #tpu.memory_space<vmem_shared>>) target_semaphore(%run_scoped3A : memref<!tpu.dma_semaphore, #tpu.memory_space<semaphore_mem>>)
        %dma_wait3A = arith.constant 0 : i32
        %dma_wait3A_42 = tpu.memref_slice %arg6[%add3A_30, %dma_wait3A] : memref<10000x64xf32, #tpu.memory_space<vmem_shared>> -> memref<125x64xf32, #tpu.memory_space<vmem_shared>>
        %dma_wait3A_43 = arith.constant 0 : i32
        %dma_wait3A_44 = tpu.memref_slice %arg6[%add3A_30, %dma_wait3A_43] : memref<10000x64xf32, #tpu.memory_space<vmem_shared>> -> memref<125x64xf32, #tpu.memory_space<vmem_shared>>
        tpu.wait_dma2 semaphore(%run_scoped3A : memref<!tpu.dma_semaphore, #tpu.memory_space<semaphore_mem>>) src(%arg7 : memref<125x64xf32, #tpu.memory_space<vmem>>) dst(%dma_wait3A_44 : memref<125x64xf32, #tpu.memory_space<vmem_shared>>)
        tpu.yield
      }) : () -> ()
      %add3A_31 = arith.constant 500 : i32
      %add3A_32 = arith.addi %mul3A_5, %add3A_31 : i32
      "tpu.region"() ({
        %run_scoped3A = tpu.sem_alloc : memref<!tpu.dma_semaphore, #tpu.memory_space<semaphore_mem>>
        %dma_start3A = arith.constant 0 : i32
        %dma_start3A_39 = tpu.memref_slice %arg6[%add3A_32, %dma_start3A] : memref<10000x64xf32, #tpu.memory_space<vmem_shared>> -> memref<125x64xf32, #tpu.memory_space<vmem_shared>>
        %dma_start3A_40 = arith.constant 0 : i32
        %dma_start3A_41 = tpu.memref_slice %arg6[%add3A_32, %dma_start3A_40] : memref<10000x64xf32, #tpu.memory_space<vmem_shared>> -> memref<125x64xf32, #tpu.memory_space<vmem_shared>>
        tpu.enqueue_dma source(%arg7 : memref<125x64xf32, #tpu.memory_space<vmem>>) target(%dma_start3A_41 : memref<125x64xf32, #tpu.memory_space<vmem_shared>>) target_semaphore(%run_scoped3A : memref<!tpu.dma_semaphore, #tpu.memory_space<semaphore_mem>>)
        %dma_wait3A = arith.constant 0 : i32
        %dma_wait3A_42 = tpu.memref_slice %arg6[%add3A_32, %dma_wait3A] : memref<10000x64xf32, #tpu.memory_space<vmem_shared>> -> memref<125x64xf32, #tpu.memory_space<vmem_shared>>
        %dma_wait3A_43 = arith.constant 0 : i32
        %dma_wait3A_44 = tpu.memref_slice %arg6[%add3A_32, %dma_wait3A_43] : memref<10000x64xf32, #tpu.memory_space<vmem_shared>> -> memref<125x64xf32, #tpu.memory_space<vmem_shared>>
        tpu.wait_dma2 semaphore(%run_scoped3A : memref<!tpu.dma_semaphore, #tpu.memory_space<semaphore_mem>>) src(%arg7 : memref<125x64xf32, #tpu.memory_space<vmem>>) dst(%dma_wait3A_44 : memref<125x64xf32, #tpu.memory_space<vmem_shared>>)
        tpu.yield
      }) : () -> ()
      %add3A_33 = arith.constant 625 : i32
      %add3A_34 = arith.addi %mul3A_5, %add3A_33 : i32
      "tpu.region"() ({
        %run_scoped3A = tpu.sem_alloc : memref<!tpu.dma_semaphore, #tpu.memory_space<semaphore_mem>>
        %dma_start3A = arith.constant 0 : i32
        %dma_start3A_39 = tpu.memref_slice %arg6[%add3A_34, %dma_start3A] : memref<10000x64xf32, #tpu.memory_space<vmem_shared>> -> memref<125x64xf32, #tpu.memory_space<vmem_shared>>
        %dma_start3A_40 = arith.constant 0 : i32
        %dma_start3A_41 = tpu.memref_slice %arg6[%add3A_34, %dma_start3A_40] : memref<10000x64xf32, #tpu.memory_space<vmem_shared>> -> memref<125x64xf32, #tpu.memory_space<vmem_shared>>
        tpu.enqueue_dma source(%arg7 : memref<125x64xf32, #tpu.memory_space<vmem>>) target(%dma_start3A_41 : memref<125x64xf32, #tpu.memory_space<vmem_shared>>) target_semaphore(%run_scoped3A : memref<!tpu.dma_semaphore, #tpu.memory_space<semaphore_mem>>)
        %dma_wait3A = arith.constant 0 : i32
        %dma_wait3A_42 = tpu.memref_slice %arg6[%add3A_34, %dma_wait3A] : memref<10000x64xf32, #tpu.memory_space<vmem_shared>> -> memref<125x64xf32, #tpu.memory_space<vmem_shared>>
        %dma_wait3A_43 = arith.constant 0 : i32
        %dma_wait3A_44 = tpu.memref_slice %arg6[%add3A_34, %dma_wait3A_43] : memref<10000x64xf32, #tpu.memory_space<vmem_shared>> -> memref<125x64xf32, #tpu.memory_space<vmem_shared>>
        tpu.wait_dma2 semaphore(%run_scoped3A : memref<!tpu.dma_semaphore, #tpu.memory_space<semaphore_mem>>) src(%arg7 : memref<125x64xf32, #tpu.memory_space<vmem>>) dst(%dma_wait3A_44 : memref<125x64xf32, #tpu.memory_space<vmem_shared>>)
        tpu.yield
      }) : () -> ()
      %add3A_35 = arith.constant 750 : i32
      %add3A_36 = arith.addi %mul3A_5, %add3A_35 : i32
      "tpu.region"() ({
        %run_scoped3A = tpu.sem_alloc : memref<!tpu.dma_semaphore, #tpu.memory_space<semaphore_mem>>
        %dma_start3A = arith.constant 0 : i32
        %dma_start3A_39 = tpu.memref_slice %arg6[%add3A_36, %dma_start3A] : memref<10000x64xf32, #tpu.memory_space<vmem_shared>> -> memref<125x64xf32, #tpu.memory_space<vmem_shared>>
        %dma_start3A_40 = arith.constant 0 : i32
        %dma_start3A_41 = tpu.memref_slice %arg6[%add3A_36, %dma_start3A_40] : memref<10000x64xf32, #tpu.memory_space<vmem_shared>> -> memref<125x64xf32, #tpu.memory_space<vmem_shared>>
        tpu.enqueue_dma source(%arg7 : memref<125x64xf32, #tpu.memory_space<vmem>>) target(%dma_start3A_41 : memref<125x64xf32, #tpu.memory_space<vmem_shared>>) target_semaphore(%run_scoped3A : memref<!tpu.dma_semaphore, #tpu.memory_space<semaphore_mem>>)
        %dma_wait3A = arith.constant 0 : i32
        %dma_wait3A_42 = tpu.memref_slice %arg6[%add3A_36, %dma_wait3A] : memref<10000x64xf32, #tpu.memory_space<vmem_shared>> -> memref<125x64xf32, #tpu.memory_space<vmem_shared>>
        %dma_wait3A_43 = arith.constant 0 : i32
        %dma_wait3A_44 = tpu.memref_slice %arg6[%add3A_36, %dma_wait3A_43] : memref<10000x64xf32, #tpu.memory_space<vmem_shared>> -> memref<125x64xf32, #tpu.memory_space<vmem_shared>>
        tpu.wait_dma2 semaphore(%run_scoped3A : memref<!tpu.dma_semaphore, #tpu.memory_space<semaphore_mem>>) src(%arg7 : memref<125x64xf32, #tpu.memory_space<vmem>>) dst(%dma_wait3A_44 : memref<125x64xf32, #tpu.memory_space<vmem_shared>>)
        tpu.yield
      }) : () -> ()
      %add3A_37 = arith.constant 875 : i32
      %add3A_38 = arith.addi %mul3A_5, %add3A_37 : i32
      "tpu.region"() ({
        %run_scoped3A = tpu.sem_alloc : memref<!tpu.dma_semaphore, #tpu.memory_space<semaphore_mem>>
        %dma_start3A = arith.constant 0 : i32
        %dma_start3A_39 = tpu.memref_slice %arg6[%add3A_38, %dma_start3A] : memref<10000x64xf32, #tpu.memory_space<vmem_shared>> -> memref<125x64xf32, #tpu.memory_space<vmem_shared>>
        %dma_start3A_40 = arith.constant 0 : i32
        %dma_start3A_41 = tpu.memref_slice %arg6[%add3A_38, %dma_start3A_40] : memref<10000x64xf32, #tpu.memory_space<vmem_shared>> -> memref<125x64xf32, #tpu.memory_space<vmem_shared>>
        tpu.enqueue_dma source(%arg7 : memref<125x64xf32, #tpu.memory_space<vmem>>) target(%dma_start3A_41 : memref<125x64xf32, #tpu.memory_space<vmem_shared>>) target_semaphore(%run_scoped3A : memref<!tpu.dma_semaphore, #tpu.memory_space<semaphore_mem>>)
        %dma_wait3A = arith.constant 0 : i32
        %dma_wait3A_42 = tpu.memref_slice %arg6[%add3A_38, %dma_wait3A] : memref<10000x64xf32, #tpu.memory_space<vmem_shared>> -> memref<125x64xf32, #tpu.memory_space<vmem_shared>>
        %dma_wait3A_43 = arith.constant 0 : i32
        %dma_wait3A_44 = tpu.memref_slice %arg6[%add3A_38, %dma_wait3A_43] : memref<10000x64xf32, #tpu.memory_space<vmem_shared>> -> memref<125x64xf32, #tpu.memory_space<vmem_shared>>
        tpu.wait_dma2 semaphore(%run_scoped3A : memref<!tpu.dma_semaphore, #tpu.memory_space<semaphore_mem>>) src(%arg7 : memref<125x64xf32, #tpu.memory_space<vmem>>) dst(%dma_wait3A_44 : memref<125x64xf32, #tpu.memory_space<vmem_shared>>)
        tpu.yield
      }) : () -> ()
    } else {
    }
    %barrier3A = arith.constant 0 : index
    tpu.barrier barrier_id(%barrier3A)
    %mul3A_8 = arith.constant 16 : i32
    %mul3A_9 = arith.muli %arg0, %mul3A_8 : i32
    %add3A = arith.addi %mul3A_9, %arg1 : i32
    %mul3A_10 = arith.constant 10000 : i32
    %mul3A_11 = arith.muli %add3A, %mul3A_10 : i32
    %scan3A_12 = arith.constant 0 : i32
    %scan3A_13 = arith.constant 125 : i32
    %scan3A_14 = arith.addi %scan3A_12, %scan3A_13 : i32
    %scan3A_15 = arith.constant 1 : i32
    scf.for %scan3A_23 = %scan3A_12 to %scan3A_14 step %scan3A_15  : i32 {
      %mul3A_24 = arith.constant 80 : i32
      %mul3A_25 = arith.muli %scan3A_23, %mul3A_24 : i32
      %add3A_26 = arith.addi %mul3A_11, %mul3A_25 : i32
      "tpu.region"() ({
        %run_scoped3A = tpu.sem_alloc : memref<!tpu.dma_semaphore, #tpu.memory_space<semaphore_mem>>
        %dma_start3A_31 = tpu.memref_slice %arg3[%add3A_26] : memref<320000xi32, #tpu.memory_space<hbm>> -> memref<80xi32, #tpu.memory_space<hbm>>
        %dma_start3A_32 = tpu.memref_slice %arg3[%add3A_26] : memref<320000xi32, #tpu.memory_space<hbm>> -> memref<80xi32, #tpu.memory_space<hbm>>
        tpu.enqueue_dma source(%dma_start3A_32 : memref<80xi32, #tpu.memory_space<hbm>>) target(%arg8 : memref<80xi32, #tpu.memory_space<vmem>>) target_semaphore(%run_scoped3A : memref<!tpu.dma_semaphore, #tpu.memory_space<semaphore_mem>>)
        %dma_wait3A_33 = tpu.memref_slice %arg3[%add3A_26] : memref<320000xi32, #tpu.memory_space<hbm>> -> memref<80xi32, #tpu.memory_space<hbm>>
        %dma_wait3A_34 = tpu.memref_slice %arg3[%add3A_26] : memref<320000xi32, #tpu.memory_space<hbm>> -> memref<80xi32, #tpu.memory_space<hbm>>
        tpu.wait_dma2 semaphore(%run_scoped3A : memref<!tpu.dma_semaphore, #tpu.memory_space<semaphore_mem>>) src(%dma_wait3A_34 : memref<80xi32, #tpu.memory_space<hbm>>) dst(%arg8 : memref<80xi32, #tpu.memory_space<vmem>>)
        tpu.yield
      }) : () -> ()
      "tpu.region"() ({
        %run_scoped3A = tpu.sem_alloc : memref<!tpu.dma_semaphore, #tpu.memory_space<semaphore_mem>>
        %dma_start3A_31 = tpu.memref_slice %arg4[%add3A_26] : memref<320000xi32, #tpu.memory_space<hbm>> -> memref<80xi32, #tpu.memory_space<hbm>>
        %dma_start3A_32 = tpu.memref_slice %arg4[%add3A_26] : memref<320000xi32, #tpu.memory_space<hbm>> -> memref<80xi32, #tpu.memory_space<hbm>>
        tpu.enqueue_dma source(%dma_start3A_32 : memref<80xi32, #tpu.memory_space<hbm>>) target(%arg9 : memref<80xi32, #tpu.memory_space<vmem>>) target_semaphore(%run_scoped3A : memref<!tpu.dma_semaphore, #tpu.memory_space<semaphore_mem>>)
        %dma_wait3A_33 = tpu.memref_slice %arg4[%add3A_26] : memref<320000xi32, #tpu.memory_space<hbm>> -> memref<80xi32, #tpu.memory_space<hbm>>
        %dma_wait3A_34 = tpu.memref_slice %arg4[%add3A_26] : memref<320000xi32, #tpu.memory_space<hbm>> -> memref<80xi32, #tpu.memory_space<hbm>>
        tpu.wait_dma2 semaphore(%run_scoped3A : memref<!tpu.dma_semaphore, #tpu.memory_space<semaphore_mem>>) src(%dma_wait3A_34 : memref<80xi32, #tpu.memory_space<hbm>>) dst(%arg9 : memref<80xi32, #tpu.memory_space<vmem>>)
        tpu.yield
      }) : () -> ()
      %dma_start3A = arith.constant 0 : i32
      %dma_start3A_27 = arith.constant 0 : i32
      %dma_start3A_28 = tpu.memref_slice %arg2[%dma_start3A, %dma_start3A_27] : memref<10000x64xf32, #tpu.memory_space<hbm>> -> memref<10000x64xf32, #tpu.memory_space<hbm>>
      tpu.enqueue_indirect_dma source(%dma_start3A_28 : memref<10000x64xf32, #tpu.memory_space<hbm>>) target(%arg10 : memref<80x64xf32, #tpu.memory_space<vmem>>) offsets(%arg8 : memref<80xi32, #tpu.memory_space<vmem>>) semaphore(%arg11 : memref<!tpu.dma_semaphore, #tpu.memory_space<semaphore_mem>>)
      %dma_wait3A = arith.constant 0 : i32
      %dma_wait3A_29 = arith.constant 0 : i32
      %dma_wait3A_30 = tpu.memref_slice %arg2[%dma_wait3A, %dma_wait3A_29] : memref<10000x64xf32, #tpu.memory_space<hbm>> -> memref<10000x64xf32, #tpu.memory_space<hbm>>
      tpu.wait_indirect_dma semaphore(%arg11 : memref<!tpu.dma_semaphore, #tpu.memory_space<semaphore_mem>>) src(%dma_wait3A_30 : memref<10000x64xf32, #tpu.memory_space<hbm>>) dst(%arg10 : memref<80x64xf32, #tpu.memory_space<vmem>>)
      "tpu.region"() ({
        %run_scoped3A = tpu.sem_alloc : memref<!tpu.dma_semaphore, #tpu.memory_space<semaphore_mem>>
        %dma_start3A_31 = arith.constant 0 : i32
        %dma_start3A_32 = arith.constant 0 : i32
        %dma_start3A_33 = tpu.memref_slice %arg6[%dma_start3A_31, %dma_start3A_32] : memref<10000x64xf32, #tpu.memory_space<vmem_shared>> -> memref<10000x64xf32, #tpu.memory_space<vmem_shared>>
        tpu.enqueue_indirect_dma source(%arg10 : memref<80x64xf32, #tpu.memory_space<vmem>>) target(%dma_start3A_33 : memref<10000x64xf32, #tpu.memory_space<vmem_shared>>) offsets(%arg9 : memref<80xi32, #tpu.memory_space<vmem>>) semaphore(%run_scoped3A : memref<!tpu.dma_semaphore, #tpu.memory_space<semaphore_mem>>) {add = true}
        %dma_wait3A_34 = arith.constant 0 : i32
        %dma_wait3A_35 = arith.constant 0 : i32
        %dma_wait3A_36 = tpu.memref_slice %arg6[%dma_wait3A_34, %dma_wait3A_35] : memref<10000x64xf32, #tpu.memory_space<vmem_shared>> -> memref<10000x64xf32, #tpu.memory_space<vmem_shared>>
        tpu.wait_indirect_dma semaphore(%run_scoped3A : memref<!tpu.dma_semaphore, #tpu.memory_space<semaphore_mem>>) src(%arg10 : memref<80x64xf32, #tpu.memory_space<vmem>>) dst(%dma_wait3A_36 : memref<10000x64xf32, #tpu.memory_space<vmem_shared>>)
        tpu.yield
      }) : () -> ()
    }
    %scan3A_16 = arith.constant 125 : i32
    %barrier3A_17 = arith.constant 0 : index
    tpu.barrier barrier_id(%barrier3A_17)
    %lt3A_18 = arith.constant 10 : i32
    %lt3A_19 = arith.cmpi slt, %arg1, %lt3A_18 : i32
    %convert_element_type3A_20 = arith.extui %lt3A_19 : i1 to i32
    %cond3A_21 = arith.constant 0 : i32
    %cond3A_22 = arith.cmpi ne, %convert_element_type3A_20, %cond3A_21 : i32
    scf.if %cond3A_22 {
      "tpu.region"() ({
        %run_scoped3A = tpu.sem_alloc : memref<!tpu.dma_semaphore, #tpu.memory_space<semaphore_mem>>
        %dma_start3A = arith.constant 0 : i32
        %dma_start3A_23 = tpu.memref_slice %arg5[%arg0, %mul3A_5, %dma_start3A] : memref<2x10000x64xf32, #tpu.memory_space<hbm>> -> memref<1x1000x64xf32, #tpu.memory_space<hbm>>
        %dma_start3A_24 = tpu.memref_squeeze %dma_start3A_23 : memref<1x1000x64xf32, #tpu.memory_space<hbm>> -> memref<1000x64xf32, #tpu.memory_space<hbm>>
        %dma_start3A_25 = arith.constant 0 : i32
        %dma_start3A_26 = tpu.memref_slice %arg6[%mul3A_5, %dma_start3A_25] : memref<10000x64xf32, #tpu.memory_space<vmem_shared>> -> memref<1000x64xf32, #tpu.memory_space<vmem_shared>>
        tpu.enqueue_dma source(%dma_start3A_26 : memref<1000x64xf32, #tpu.memory_space<vmem_shared>>) target(%dma_start3A_24 : memref<1000x64xf32, #tpu.memory_space<hbm>>) target_semaphore(%run_scoped3A : memref<!tpu.dma_semaphore, #tpu.memory_space<semaphore_mem>>)
        %dma_wait3A = arith.constant 0 : i32
        %dma_wait3A_27 = tpu.memref_slice %arg5[%arg0, %mul3A_5, %dma_wait3A] : memref<2x10000x64xf32, #tpu.memory_space<hbm>> -> memref<1x1000x64xf32, #tpu.memory_space<hbm>>
        %dma_wait3A_28 = tpu.memref_squeeze %dma_wait3A_27 : memref<1x1000x64xf32, #tpu.memory_space<hbm>> -> memref<1000x64xf32, #tpu.memory_space<hbm>>
        %dma_wait3A_29 = arith.constant 0 : i32
        %dma_wait3A_30 = tpu.memref_slice %arg6[%mul3A_5, %dma_wait3A_29] : memref<10000x64xf32, #tpu.memory_space<vmem_shared>> -> memref<1000x64xf32, #tpu.memory_space<vmem_shared>>
        tpu.wait_dma2 semaphore(%run_scoped3A : memref<!tpu.dma_semaphore, #tpu.memory_space<semaphore_mem>>) src(%dma_wait3A_30 : memref<1000x64xf32, #tpu.memory_space<vmem_shared>>) dst(%dma_wait3A_28 : memref<1000x64xf32, #tpu.memory_space<hbm>>)
        tpu.yield
      }) : () -> ()
    } else {
    }
    return
  }
}

#map = affine_map<(d0, d1) -> (0, 0)>
#map1 = affine_map<(d0, d1) -> (0)>
#map2 = affine_map<(d0, d1) -> (0, 0, 0)>
module attributes {stable_mosaic.version = 14 : i64} {
  func.func @sc_segsum_d128(%arg0: i32, %arg1: i32, %arg2: memref<10000x128xf32, #tpu.memory_space<hbm>>, %arg3: memref<320000xi32, #tpu.memory_space<hbm>>, %arg4: memref<320000xi32, #tpu.memory_space<hbm>>, %arg5: memref<2x10000x128xf32, #tpu.memory_space<hbm>>, %arg6: memref<2x10240xf32, #tpu.memory_space<hbm>>, %arg7: memref<10000x128xf32, #tpu.memory_space<vmem_shared>>, %arg8: memref<125x128xf32, #tpu.memory_space<vmem>>, %arg9: memref<80xi32, #tpu.memory_space<vmem>>, %arg10: memref<80xi32, #tpu.memory_space<vmem>>, %arg11: memref<80x128xf32, #tpu.memory_space<vmem>>, %arg12: memref<!tpu.dma_semaphore, #tpu.memory_space<semaphore_mem>>, %arg13: memref<10240xf32, #tpu.memory_space<vmem_shared>>, %arg14: memref<640xf32, #tpu.memory_space<vmem>>, %arg15: memref<80xf32, #tpu.memory_space<vmem>>) attributes {dimension_semantics = [#tpu.dimension_semantics<core_parallel>, #tpu.dimension_semantics<subcore_parallel>], iteration_bounds = array<i64: 2, 16>, scalar_prefetch = 0 : i64, scratch_operands = 9 : i64, tpu.core_type = #tpu.core_type<sc_vector_subcore>, window_params = [{transform_indices = #map}, {transform_indices = #map1}, {transform_indices = #map1}, {transform_indices = #map2}, {transform_indices = #map}]} {
    %broadcast_in_dim3A = arith.constant 0.000000e+00 : f32
    %broadcast_in_dim3A_0 = vector.broadcast %broadcast_in_dim3A : f32 to vector<16xf32>
    %scan3A = arith.constant 0 : i32
    %scan3A_1 = arith.constant 125 : i32
    %scan3A_2 = arith.addi %scan3A, %scan3A_1 : i32
    %scan3A_3 = arith.constant 1 : i32
    scf.for %scan3A_43 = %scan3A to %scan3A_2 step %scan3A_3  : i32 {
      %swap3A = arith.index_cast %scan3A_43 : i32 to index
      %swap3A_44 = arith.constant 0 : index
      %swap3A_45 = tpu.vector_load %arg8[%swap3A, %swap3A_44] {strides = array<i32>} : memref<125x128xf32, #tpu.memory_space<vmem>>, vector<1x16xf32>,
      %swap3A_46 = vector.shape_cast %swap3A_45 : vector<1x16xf32> to vector<16xf32>
      %swap3A_47 = vector.shape_cast %broadcast_in_dim3A_0 : vector<16xf32> to vector<1x16xf32>
      tpu.vector_store %arg8[%swap3A, %swap3A_44], %swap3A_47 {strides = array<i32>} : memref<125x128xf32, #tpu.memory_space<vmem>>, vector<1x16xf32>,
      %swap3A_48 = arith.index_cast %scan3A_43 : i32 to index
      %swap3A_49 = arith.constant 16 : index
      %swap3A_50 = tpu.vector_load %arg8[%swap3A_48, %swap3A_49] {strides = array<i32>} : memref<125x128xf32, #tpu.memory_space<vmem>>, vector<1x16xf32>,
      %swap3A_51 = vector.shape_cast %swap3A_50 : vector<1x16xf32> to vector<16xf32>
      %swap3A_52 = vector.shape_cast %broadcast_in_dim3A_0 : vector<16xf32> to vector<1x16xf32>
      tpu.vector_store %arg8[%swap3A_48, %swap3A_49], %swap3A_52 {strides = array<i32>} : memref<125x128xf32, #tpu.memory_space<vmem>>, vector<1x16xf32>,
      %swap3A_53 = arith.index_cast %scan3A_43 : i32 to index
      %swap3A_54 = arith.constant 32 : index
      %swap3A_55 = tpu.vector_load %arg8[%swap3A_53, %swap3A_54] {strides = array<i32>} : memref<125x128xf32, #tpu.memory_space<vmem>>, vector<1x16xf32>,
      %swap3A_56 = vector.shape_cast %swap3A_55 : vector<1x16xf32> to vector<16xf32>
      %swap3A_57 = vector.shape_cast %broadcast_in_dim3A_0 : vector<16xf32> to vector<1x16xf32>
      tpu.vector_store %arg8[%swap3A_53, %swap3A_54], %swap3A_57 {strides = array<i32>} : memref<125x128xf32, #tpu.memory_space<vmem>>, vector<1x16xf32>,
      %swap3A_58 = arith.index_cast %scan3A_43 : i32 to index
      %swap3A_59 = arith.constant 48 : index
      %swap3A_60 = tpu.vector_load %arg8[%swap3A_58, %swap3A_59] {strides = array<i32>} : memref<125x128xf32, #tpu.memory_space<vmem>>, vector<1x16xf32>,
      %swap3A_61 = vector.shape_cast %swap3A_60 : vector<1x16xf32> to vector<16xf32>
      %swap3A_62 = vector.shape_cast %broadcast_in_dim3A_0 : vector<16xf32> to vector<1x16xf32>
      tpu.vector_store %arg8[%swap3A_58, %swap3A_59], %swap3A_62 {strides = array<i32>} : memref<125x128xf32, #tpu.memory_space<vmem>>, vector<1x16xf32>,
      %swap3A_63 = arith.index_cast %scan3A_43 : i32 to index
      %swap3A_64 = arith.constant 64 : index
      %swap3A_65 = tpu.vector_load %arg8[%swap3A_63, %swap3A_64] {strides = array<i32>} : memref<125x128xf32, #tpu.memory_space<vmem>>, vector<1x16xf32>,
      %swap3A_66 = vector.shape_cast %swap3A_65 : vector<1x16xf32> to vector<16xf32>
      %swap3A_67 = vector.shape_cast %broadcast_in_dim3A_0 : vector<16xf32> to vector<1x16xf32>
      tpu.vector_store %arg8[%swap3A_63, %swap3A_64], %swap3A_67 {strides = array<i32>} : memref<125x128xf32, #tpu.memory_space<vmem>>, vector<1x16xf32>,
      %swap3A_68 = arith.index_cast %scan3A_43 : i32 to index
      %swap3A_69 = arith.constant 80 : index
      %swap3A_70 = tpu.vector_load %arg8[%swap3A_68, %swap3A_69] {strides = array<i32>} : memref<125x128xf32, #tpu.memory_space<vmem>>, vector<1x16xf32>,
      %swap3A_71 = vector.shape_cast %swap3A_70 : vector<1x16xf32> to vector<16xf32>
      %swap3A_72 = vector.shape_cast %broadcast_in_dim3A_0 : vector<16xf32> to vector<1x16xf32>
      tpu.vector_store %arg8[%swap3A_68, %swap3A_69], %swap3A_72 {strides = array<i32>} : memref<125x128xf32, #tpu.memory_space<vmem>>, vector<1x16xf32>,
      %swap3A_73 = arith.index_cast %scan3A_43 : i32 to index
      %swap3A_74 = arith.constant 96 : index
      %swap3A_75 = tpu.vector_load %arg8[%swap3A_73, %swap3A_74] {strides = array<i32>} : memref<125x128xf32, #tpu.memory_space<vmem>>, vector<1x16xf32>,
      %swap3A_76 = vector.shape_cast %swap3A_75 : vector<1x16xf32> to vector<16xf32>
      %swap3A_77 = vector.shape_cast %broadcast_in_dim3A_0 : vector<16xf32> to vector<1x16xf32>
      tpu.vector_store %arg8[%swap3A_73, %swap3A_74], %swap3A_77 {strides = array<i32>} : memref<125x128xf32, #tpu.memory_space<vmem>>, vector<1x16xf32>,
      %swap3A_78 = arith.index_cast %scan3A_43 : i32 to index
      %swap3A_79 = arith.constant 112 : index
      %swap3A_80 = tpu.vector_load %arg8[%swap3A_78, %swap3A_79] {strides = array<i32>} : memref<125x128xf32, #tpu.memory_space<vmem>>, vector<1x16xf32>,
      %swap3A_81 = vector.shape_cast %swap3A_80 : vector<1x16xf32> to vector<16xf32>
      %swap3A_82 = vector.shape_cast %broadcast_in_dim3A_0 : vector<16xf32> to vector<1x16xf32>
      tpu.vector_store %arg8[%swap3A_78, %swap3A_79], %swap3A_82 {strides = array<i32>} : memref<125x128xf32, #tpu.memory_space<vmem>>, vector<1x16xf32>,
    }
    %scan3A_4 = arith.constant 125 : i32
    %broadcast_in_dim3A_5 = arith.constant 0.000000e+00 : f32
    %broadcast_in_dim3A_6 = vector.broadcast %broadcast_in_dim3A_5 : f32 to vector<16xf32>
    %scan3A_7 = arith.constant 0 : i32
    %scan3A_8 = arith.constant 40 : i32
    %scan3A_9 = arith.addi %scan3A_7, %scan3A_8 : i32
    %scan3A_10 = arith.constant 1 : i32
    scf.for %scan3A_43 = %scan3A_7 to %scan3A_9 step %scan3A_10  : i32 {
      %mul3A_44 = arith.constant 16 : i32
      %mul3A_45 = arith.muli %scan3A_43, %mul3A_44 : i32
      %swap3A = arith.index_cast %mul3A_45 : i32 to index
      %swap3A_46 = tpu.vector_load %arg14[%swap3A] {strides = array<i32>} : memref<640xf32, #tpu.memory_space<vmem>>, vector<16xf32>,
      %swap3A_47 = vector.shape_cast %swap3A_46 : vector<16xf32> to vector<16xf32>
      %swap3A_48 = vector.shape_cast %broadcast_in_dim3A_6 : vector<16xf32> to vector<16xf32>
      tpu.vector_store %arg14[%swap3A], %swap3A_48 {strides = array<i32>} : memref<640xf32, #tpu.memory_space<vmem>>, vector<16xf32>,
    }
    %scan3A_11 = arith.constant 40 : i32
    %broadcast_in_dim3A_12 = arith.constant 1.000000e+00 : f32
    %broadcast_in_dim3A_13 = vector.broadcast %broadcast_in_dim3A_12 : f32 to vector<16xf32>
    %scan3A_14 = arith.constant 0 : i32
    %scan3A_15 = arith.constant 5 : i32
    %scan3A_16 = arith.addi %scan3A_14, %scan3A_15 : i32
    %scan3A_17 = arith.constant 1 : i32
    scf.for %scan3A_43 = %scan3A_14 to %scan3A_16 step %scan3A_17  : i32 {
      %mul3A_44 = arith.constant 16 : i32
      %mul3A_45 = arith.muli %scan3A_43, %mul3A_44 : i32
      %swap3A = arith.index_cast %mul3A_45 : i32 to index
      %swap3A_46 = tpu.vector_load %arg15[%swap3A] {strides = array<i32>} : memref<80xf32, #tpu.memory_space<vmem>>, vector<16xf32>,
      %swap3A_47 = vector.shape_cast %swap3A_46 : vector<16xf32> to vector<16xf32>
      %swap3A_48 = vector.shape_cast %broadcast_in_dim3A_13 : vector<16xf32> to vector<16xf32>
      tpu.vector_store %arg15[%swap3A], %swap3A_48 {strides = array<i32>} : memref<80xf32, #tpu.memory_space<vmem>>, vector<16xf32>,
    }
    %scan3A_18 = arith.constant 5 : i32
    %mul3A = arith.constant 1000 : i32
    %mul3A_19 = arith.muli %arg1, %mul3A : i32
    %lt3A = arith.constant 10 : i32
    %lt3A_20 = arith.cmpi slt, %arg1, %lt3A : i32
    %convert_element_type3A = arith.extui %lt3A_20 : i1 to i32
    %cond3A = arith.constant 0 : i32
    %cond3A_21 = arith.cmpi ne, %convert_element_type3A, %cond3A : i32
    scf.if %cond3A_21 {
      %add3A_43 = arith.constant 0 : i32
      %add3A_44 = arith.addi %mul3A_19, %add3A_43 : i32
      "tpu.region"() ({
        %run_scoped3A = tpu.sem_alloc : memref<!tpu.dma_semaphore, #tpu.memory_space<semaphore_mem>>
        %dma_start3A = arith.constant 0 : i32
        %dma_start3A_59 = tpu.memref_slice %arg7[%add3A_44, %dma_start3A] : memref<10000x128xf32, #tpu.memory_space<vmem_shared>> -> memref<125x128xf32, #tpu.memory_space<vmem_shared>>
        %dma_start3A_60 = arith.constant 0 : i32
        %dma_start3A_61 = tpu.memref_slice %arg7[%add3A_44, %dma_start3A_60] : memref<10000x128xf32, #tpu.memory_space<vmem_shared>> -> memref<125x128xf32, #tpu.memory_space<vmem_shared>>
        tpu.enqueue_dma source(%arg8 : memref<125x128xf32, #tpu.memory_space<vmem>>) target(%dma_start3A_61 : memref<125x128xf32, #tpu.memory_space<vmem_shared>>) target_semaphore(%run_scoped3A : memref<!tpu.dma_semaphore, #tpu.memory_space<semaphore_mem>>)
        %dma_wait3A = arith.constant 0 : i32
        %dma_wait3A_62 = tpu.memref_slice %arg7[%add3A_44, %dma_wait3A] : memref<10000x128xf32, #tpu.memory_space<vmem_shared>> -> memref<125x128xf32, #tpu.memory_space<vmem_shared>>
        %dma_wait3A_63 = arith.constant 0 : i32
        %dma_wait3A_64 = tpu.memref_slice %arg7[%add3A_44, %dma_wait3A_63] : memref<10000x128xf32, #tpu.memory_space<vmem_shared>> -> memref<125x128xf32, #tpu.memory_space<vmem_shared>>
        tpu.wait_dma2 semaphore(%run_scoped3A : memref<!tpu.dma_semaphore, #tpu.memory_space<semaphore_mem>>) src(%arg8 : memref<125x128xf32, #tpu.memory_space<vmem>>) dst(%dma_wait3A_64 : memref<125x128xf32, #tpu.memory_space<vmem_shared>>)
        tpu.yield
      }) : () -> ()
      %add3A_45 = arith.constant 125 : i32
      %add3A_46 = arith.addi %mul3A_19, %add3A_45 : i32
      "tpu.region"() ({
        %run_scoped3A = tpu.sem_alloc : memref<!tpu.dma_semaphore, #tpu.memory_space<semaphore_mem>>
        %dma_start3A = arith.constant 0 : i32
        %dma_start3A_59 = tpu.memref_slice %arg7[%add3A_46, %dma_start3A] : memref<10000x128xf32, #tpu.memory_space<vmem_shared>> -> memref<125x128xf32, #tpu.memory_space<vmem_shared>>
        %dma_start3A_60 = arith.constant 0 : i32
        %dma_start3A_61 = tpu.memref_slice %arg7[%add3A_46, %dma_start3A_60] : memref<10000x128xf32, #tpu.memory_space<vmem_shared>> -> memref<125x128xf32, #tpu.memory_space<vmem_shared>>
        tpu.enqueue_dma source(%arg8 : memref<125x128xf32, #tpu.memory_space<vmem>>) target(%dma_start3A_61 : memref<125x128xf32, #tpu.memory_space<vmem_shared>>) target_semaphore(%run_scoped3A : memref<!tpu.dma_semaphore, #tpu.memory_space<semaphore_mem>>)
        %dma_wait3A = arith.constant 0 : i32
        %dma_wait3A_62 = tpu.memref_slice %arg7[%add3A_46, %dma_wait3A] : memref<10000x128xf32, #tpu.memory_space<vmem_shared>> -> memref<125x128xf32, #tpu.memory_space<vmem_shared>>
        %dma_wait3A_63 = arith.constant 0 : i32
        %dma_wait3A_64 = tpu.memref_slice %arg7[%add3A_46, %dma_wait3A_63] : memref<10000x128xf32, #tpu.memory_space<vmem_shared>> -> memref<125x128xf32, #tpu.memory_space<vmem_shared>>
        tpu.wait_dma2 semaphore(%run_scoped3A : memref<!tpu.dma_semaphore, #tpu.memory_space<semaphore_mem>>) src(%arg8 : memref<125x128xf32, #tpu.memory_space<vmem>>) dst(%dma_wait3A_64 : memref<125x128xf32, #tpu.memory_space<vmem_shared>>)
        tpu.yield
      }) : () -> ()
      %add3A_47 = arith.constant 250 : i32
      %add3A_48 = arith.addi %mul3A_19, %add3A_47 : i32
      "tpu.region"() ({
        %run_scoped3A = tpu.sem_alloc : memref<!tpu.dma_semaphore, #tpu.memory_space<semaphore_mem>>
        %dma_start3A = arith.constant 0 : i32
        %dma_start3A_59 = tpu.memref_slice %arg7[%add3A_48, %dma_start3A] : memref<10000x128xf32, #tpu.memory_space<vmem_shared>> -> memref<125x128xf32, #tpu.memory_space<vmem_shared>>
        %dma_start3A_60 = arith.constant 0 : i32
        %dma_start3A_61 = tpu.memref_slice %arg7[%add3A_48, %dma_start3A_60] : memref<10000x128xf32, #tpu.memory_space<vmem_shared>> -> memref<125x128xf32, #tpu.memory_space<vmem_shared>>
        tpu.enqueue_dma source(%arg8 : memref<125x128xf32, #tpu.memory_space<vmem>>) target(%dma_start3A_61 : memref<125x128xf32, #tpu.memory_space<vmem_shared>>) target_semaphore(%run_scoped3A : memref<!tpu.dma_semaphore, #tpu.memory_space<semaphore_mem>>)
        %dma_wait3A = arith.constant 0 : i32
        %dma_wait3A_62 = tpu.memref_slice %arg7[%add3A_48, %dma_wait3A] : memref<10000x128xf32, #tpu.memory_space<vmem_shared>> -> memref<125x128xf32, #tpu.memory_space<vmem_shared>>
        %dma_wait3A_63 = arith.constant 0 : i32
        %dma_wait3A_64 = tpu.memref_slice %arg7[%add3A_48, %dma_wait3A_63] : memref<10000x128xf32, #tpu.memory_space<vmem_shared>> -> memref<125x128xf32, #tpu.memory_space<vmem_shared>>
        tpu.wait_dma2 semaphore(%run_scoped3A : memref<!tpu.dma_semaphore, #tpu.memory_space<semaphore_mem>>) src(%arg8 : memref<125x128xf32, #tpu.memory_space<vmem>>) dst(%dma_wait3A_64 : memref<125x128xf32, #tpu.memory_space<vmem_shared>>)
        tpu.yield
      }) : () -> ()
      %add3A_49 = arith.constant 375 : i32
      %add3A_50 = arith.addi %mul3A_19, %add3A_49 : i32
      "tpu.region"() ({
        %run_scoped3A = tpu.sem_alloc : memref<!tpu.dma_semaphore, #tpu.memory_space<semaphore_mem>>
        %dma_start3A = arith.constant 0 : i32
        %dma_start3A_59 = tpu.memref_slice %arg7[%add3A_50, %dma_start3A] : memref<10000x128xf32, #tpu.memory_space<vmem_shared>> -> memref<125x128xf32, #tpu.memory_space<vmem_shared>>
        %dma_start3A_60 = arith.constant 0 : i32
        %dma_start3A_61 = tpu.memref_slice %arg7[%add3A_50, %dma_start3A_60] : memref<10000x128xf32, #tpu.memory_space<vmem_shared>> -> memref<125x128xf32, #tpu.memory_space<vmem_shared>>
        tpu.enqueue_dma source(%arg8 : memref<125x128xf32, #tpu.memory_space<vmem>>) target(%dma_start3A_61 : memref<125x128xf32, #tpu.memory_space<vmem_shared>>) target_semaphore(%run_scoped3A : memref<!tpu.dma_semaphore, #tpu.memory_space<semaphore_mem>>)
        %dma_wait3A = arith.constant 0 : i32
        %dma_wait3A_62 = tpu.memref_slice %arg7[%add3A_50, %dma_wait3A] : memref<10000x128xf32, #tpu.memory_space<vmem_shared>> -> memref<125x128xf32, #tpu.memory_space<vmem_shared>>
        %dma_wait3A_63 = arith.constant 0 : i32
        %dma_wait3A_64 = tpu.memref_slice %arg7[%add3A_50, %dma_wait3A_63] : memref<10000x128xf32, #tpu.memory_space<vmem_shared>> -> memref<125x128xf32, #tpu.memory_space<vmem_shared>>
        tpu.wait_dma2 semaphore(%run_scoped3A : memref<!tpu.dma_semaphore, #tpu.memory_space<semaphore_mem>>) src(%arg8 : memref<125x128xf32, #tpu.memory_space<vmem>>) dst(%dma_wait3A_64 : memref<125x128xf32, #tpu.memory_space<vmem_shared>>)
        tpu.yield
      }) : () -> ()
      %add3A_51 = arith.constant 500 : i32
      %add3A_52 = arith.addi %mul3A_19, %add3A_51 : i32
      "tpu.region"() ({
        %run_scoped3A = tpu.sem_alloc : memref<!tpu.dma_semaphore, #tpu.memory_space<semaphore_mem>>
        %dma_start3A = arith.constant 0 : i32
        %dma_start3A_59 = tpu.memref_slice %arg7[%add3A_52, %dma_start3A] : memref<10000x128xf32, #tpu.memory_space<vmem_shared>> -> memref<125x128xf32, #tpu.memory_space<vmem_shared>>
        %dma_start3A_60 = arith.constant 0 : i32
        %dma_start3A_61 = tpu.memref_slice %arg7[%add3A_52, %dma_start3A_60] : memref<10000x128xf32, #tpu.memory_space<vmem_shared>> -> memref<125x128xf32, #tpu.memory_space<vmem_shared>>
        tpu.enqueue_dma source(%arg8 : memref<125x128xf32, #tpu.memory_space<vmem>>) target(%dma_start3A_61 : memref<125x128xf32, #tpu.memory_space<vmem_shared>>) target_semaphore(%run_scoped3A : memref<!tpu.dma_semaphore, #tpu.memory_space<semaphore_mem>>)
        %dma_wait3A = arith.constant 0 : i32
        %dma_wait3A_62 = tpu.memref_slice %arg7[%add3A_52, %dma_wait3A] : memref<10000x128xf32, #tpu.memory_space<vmem_shared>> -> memref<125x128xf32, #tpu.memory_space<vmem_shared>>
        %dma_wait3A_63 = arith.constant 0 : i32
        %dma_wait3A_64 = tpu.memref_slice %arg7[%add3A_52, %dma_wait3A_63] : memref<10000x128xf32, #tpu.memory_space<vmem_shared>> -> memref<125x128xf32, #tpu.memory_space<vmem_shared>>
        tpu.wait_dma2 semaphore(%run_scoped3A : memref<!tpu.dma_semaphore, #tpu.memory_space<semaphore_mem>>) src(%arg8 : memref<125x128xf32, #tpu.memory_space<vmem>>) dst(%dma_wait3A_64 : memref<125x128xf32, #tpu.memory_space<vmem_shared>>)
        tpu.yield
      }) : () -> ()
      %add3A_53 = arith.constant 625 : i32
      %add3A_54 = arith.addi %mul3A_19, %add3A_53 : i32
      "tpu.region"() ({
        %run_scoped3A = tpu.sem_alloc : memref<!tpu.dma_semaphore, #tpu.memory_space<semaphore_mem>>
        %dma_start3A = arith.constant 0 : i32
        %dma_start3A_59 = tpu.memref_slice %arg7[%add3A_54, %dma_start3A] : memref<10000x128xf32, #tpu.memory_space<vmem_shared>> -> memref<125x128xf32, #tpu.memory_space<vmem_shared>>
        %dma_start3A_60 = arith.constant 0 : i32
        %dma_start3A_61 = tpu.memref_slice %arg7[%add3A_54, %dma_start3A_60] : memref<10000x128xf32, #tpu.memory_space<vmem_shared>> -> memref<125x128xf32, #tpu.memory_space<vmem_shared>>
        tpu.enqueue_dma source(%arg8 : memref<125x128xf32, #tpu.memory_space<vmem>>) target(%dma_start3A_61 : memref<125x128xf32, #tpu.memory_space<vmem_shared>>) target_semaphore(%run_scoped3A : memref<!tpu.dma_semaphore, #tpu.memory_space<semaphore_mem>>)
        %dma_wait3A = arith.constant 0 : i32
        %dma_wait3A_62 = tpu.memref_slice %arg7[%add3A_54, %dma_wait3A] : memref<10000x128xf32, #tpu.memory_space<vmem_shared>> -> memref<125x128xf32, #tpu.memory_space<vmem_shared>>
        %dma_wait3A_63 = arith.constant 0 : i32
        %dma_wait3A_64 = tpu.memref_slice %arg7[%add3A_54, %dma_wait3A_63] : memref<10000x128xf32, #tpu.memory_space<vmem_shared>> -> memref<125x128xf32, #tpu.memory_space<vmem_shared>>
        tpu.wait_dma2 semaphore(%run_scoped3A : memref<!tpu.dma_semaphore, #tpu.memory_space<semaphore_mem>>) src(%arg8 : memref<125x128xf32, #tpu.memory_space<vmem>>) dst(%dma_wait3A_64 : memref<125x128xf32, #tpu.memory_space<vmem_shared>>)
        tpu.yield
      }) : () -> ()
      %add3A_55 = arith.constant 750 : i32
      %add3A_56 = arith.addi %mul3A_19, %add3A_55 : i32
      "tpu.region"() ({
        %run_scoped3A = tpu.sem_alloc : memref<!tpu.dma_semaphore, #tpu.memory_space<semaphore_mem>>
        %dma_start3A = arith.constant 0 : i32
        %dma_start3A_59 = tpu.memref_slice %arg7[%add3A_56, %dma_start3A] : memref<10000x128xf32, #tpu.memory_space<vmem_shared>> -> memref<125x128xf32, #tpu.memory_space<vmem_shared>>
        %dma_start3A_60 = arith.constant 0 : i32
        %dma_start3A_61 = tpu.memref_slice %arg7[%add3A_56, %dma_start3A_60] : memref<10000x128xf32, #tpu.memory_space<vmem_shared>> -> memref<125x128xf32, #tpu.memory_space<vmem_shared>>
        tpu.enqueue_dma source(%arg8 : memref<125x128xf32, #tpu.memory_space<vmem>>) target(%dma_start3A_61 : memref<125x128xf32, #tpu.memory_space<vmem_shared>>) target_semaphore(%run_scoped3A : memref<!tpu.dma_semaphore, #tpu.memory_space<semaphore_mem>>)
        %dma_wait3A = arith.constant 0 : i32
        %dma_wait3A_62 = tpu.memref_slice %arg7[%add3A_56, %dma_wait3A] : memref<10000x128xf32, #tpu.memory_space<vmem_shared>> -> memref<125x128xf32, #tpu.memory_space<vmem_shared>>
        %dma_wait3A_63 = arith.constant 0 : i32
        %dma_wait3A_64 = tpu.memref_slice %arg7[%add3A_56, %dma_wait3A_63] : memref<10000x128xf32, #tpu.memory_space<vmem_shared>> -> memref<125x128xf32, #tpu.memory_space<vmem_shared>>
        tpu.wait_dma2 semaphore(%run_scoped3A : memref<!tpu.dma_semaphore, #tpu.memory_space<semaphore_mem>>) src(%arg8 : memref<125x128xf32, #tpu.memory_space<vmem>>) dst(%dma_wait3A_64 : memref<125x128xf32, #tpu.memory_space<vmem_shared>>)
        tpu.yield
      }) : () -> ()
      %add3A_57 = arith.constant 875 : i32
      %add3A_58 = arith.addi %mul3A_19, %add3A_57 : i32
      "tpu.region"() ({
        %run_scoped3A = tpu.sem_alloc : memref<!tpu.dma_semaphore, #tpu.memory_space<semaphore_mem>>
        %dma_start3A = arith.constant 0 : i32
        %dma_start3A_59 = tpu.memref_slice %arg7[%add3A_58, %dma_start3A] : memref<10000x128xf32, #tpu.memory_space<vmem_shared>> -> memref<125x128xf32, #tpu.memory_space<vmem_shared>>
        %dma_start3A_60 = arith.constant 0 : i32
        %dma_start3A_61 = tpu.memref_slice %arg7[%add3A_58, %dma_start3A_60] : memref<10000x128xf32, #tpu.memory_space<vmem_shared>> -> memref<125x128xf32, #tpu.memory_space<vmem_shared>>
        tpu.enqueue_dma source(%arg8 : memref<125x128xf32, #tpu.memory_space<vmem>>) target(%dma_start3A_61 : memref<125x128xf32, #tpu.memory_space<vmem_shared>>) target_semaphore(%run_scoped3A : memref<!tpu.dma_semaphore, #tpu.memory_space<semaphore_mem>>)
        %dma_wait3A = arith.constant 0 : i32
        %dma_wait3A_62 = tpu.memref_slice %arg7[%add3A_58, %dma_wait3A] : memref<10000x128xf32, #tpu.memory_space<vmem_shared>> -> memref<125x128xf32, #tpu.memory_space<vmem_shared>>
        %dma_wait3A_63 = arith.constant 0 : i32
        %dma_wait3A_64 = tpu.memref_slice %arg7[%add3A_58, %dma_wait3A_63] : memref<10000x128xf32, #tpu.memory_space<vmem_shared>> -> memref<125x128xf32, #tpu.memory_space<vmem_shared>>
        tpu.wait_dma2 semaphore(%run_scoped3A : memref<!tpu.dma_semaphore, #tpu.memory_space<semaphore_mem>>) src(%arg8 : memref<125x128xf32, #tpu.memory_space<vmem>>) dst(%dma_wait3A_64 : memref<125x128xf32, #tpu.memory_space<vmem_shared>>)
        tpu.yield
      }) : () -> ()
    } else {
    }
    %mul3A_22 = arith.constant 640 : i32
    %mul3A_23 = arith.muli %arg1, %mul3A_22 : i32
    "tpu.region"() ({
      %run_scoped3A = tpu.sem_alloc : memref<!tpu.dma_semaphore, #tpu.memory_space<semaphore_mem>>
      %dma_start3A = tpu.memref_slice %arg13[%mul3A_23] : memref<10240xf32, #tpu.memory_space<vmem_shared>> -> memref<640xf32, #tpu.memory_space<vmem_shared>>
      %dma_start3A_43 = tpu.memref_slice %arg13[%mul3A_23] : memref<10240xf32, #tpu.memory_space<vmem_shared>> -> memref<640xf32, #tpu.memory_space<vmem_shared>>
      tpu.enqueue_dma source(%arg14 : memref<640xf32, #tpu.memory_space<vmem>>) target(%dma_start3A_43 : memref<640xf32, #tpu.memory_space<vmem_shared>>) target_semaphore(%run_scoped3A : memref<!tpu.dma_semaphore, #tpu.memory_space<semaphore_mem>>)
      %dma_wait3A = tpu.memref_slice %arg13[%mul3A_23] : memref<10240xf32, #tpu.memory_space<vmem_shared>> -> memref<640xf32, #tpu.memory_space<vmem_shared>>
      %dma_wait3A_44 = tpu.memref_slice %arg13[%mul3A_23] : memref<10240xf32, #tpu.memory_space<vmem_shared>> -> memref<640xf32, #tpu.memory_space<vmem_shared>>
      tpu.wait_dma2 semaphore(%run_scoped3A : memref<!tpu.dma_semaphore, #tpu.memory_space<semaphore_mem>>) src(%arg14 : memref<640xf32, #tpu.memory_space<vmem>>) dst(%dma_wait3A_44 : memref<640xf32, #tpu.memory_space<vmem_shared>>)
      tpu.yield
    }) : () -> ()
    %barrier3A = arith.constant 0 : index
    tpu.barrier barrier_id(%barrier3A)
    %mul3A_24 = arith.constant 16 : i32
    %mul3A_25 = arith.muli %arg0, %mul3A_24 : i32
    %add3A = arith.addi %mul3A_25, %arg1 : i32
    %mul3A_26 = arith.constant 10000 : i32
    %mul3A_27 = arith.muli %add3A, %mul3A_26 : i32
    %scan3A_28 = arith.constant 0 : i32
    %scan3A_29 = arith.constant 125 : i32
    %scan3A_30 = arith.addi %scan3A_28, %scan3A_29 : i32
    %scan3A_31 = arith.constant 1 : i32
    scf.for %scan3A_43 = %scan3A_28 to %scan3A_30 step %scan3A_31  : i32 {
      %mul3A_44 = arith.constant 80 : i32
      %mul3A_45 = arith.muli %scan3A_43, %mul3A_44 : i32
      %add3A_46 = arith.addi %mul3A_27, %mul3A_45 : i32
      "tpu.region"() ({
        %run_scoped3A = tpu.sem_alloc : memref<!tpu.dma_semaphore, #tpu.memory_space<semaphore_mem>>
        %dma_start3A_51 = tpu.memref_slice %arg3[%add3A_46] : memref<320000xi32, #tpu.memory_space<hbm>> -> memref<80xi32, #tpu.memory_space<hbm>>
        %dma_start3A_52 = tpu.memref_slice %arg3[%add3A_46] : memref<320000xi32, #tpu.memory_space<hbm>> -> memref<80xi32, #tpu.memory_space<hbm>>
        tpu.enqueue_dma source(%dma_start3A_52 : memref<80xi32, #tpu.memory_space<hbm>>) target(%arg9 : memref<80xi32, #tpu.memory_space<vmem>>) target_semaphore(%run_scoped3A : memref<!tpu.dma_semaphore, #tpu.memory_space<semaphore_mem>>)
        %dma_wait3A_53 = tpu.memref_slice %arg3[%add3A_46] : memref<320000xi32, #tpu.memory_space<hbm>> -> memref<80xi32, #tpu.memory_space<hbm>>
        %dma_wait3A_54 = tpu.memref_slice %arg3[%add3A_46] : memref<320000xi32, #tpu.memory_space<hbm>> -> memref<80xi32, #tpu.memory_space<hbm>>
        tpu.wait_dma2 semaphore(%run_scoped3A : memref<!tpu.dma_semaphore, #tpu.memory_space<semaphore_mem>>) src(%dma_wait3A_54 : memref<80xi32, #tpu.memory_space<hbm>>) dst(%arg9 : memref<80xi32, #tpu.memory_space<vmem>>)
        tpu.yield
      }) : () -> ()
      "tpu.region"() ({
        %run_scoped3A = tpu.sem_alloc : memref<!tpu.dma_semaphore, #tpu.memory_space<semaphore_mem>>
        %dma_start3A_51 = tpu.memref_slice %arg4[%add3A_46] : memref<320000xi32, #tpu.memory_space<hbm>> -> memref<80xi32, #tpu.memory_space<hbm>>
        %dma_start3A_52 = tpu.memref_slice %arg4[%add3A_46] : memref<320000xi32, #tpu.memory_space<hbm>> -> memref<80xi32, #tpu.memory_space<hbm>>
        tpu.enqueue_dma source(%dma_start3A_52 : memref<80xi32, #tpu.memory_space<hbm>>) target(%arg10 : memref<80xi32, #tpu.memory_space<vmem>>) target_semaphore(%run_scoped3A : memref<!tpu.dma_semaphore, #tpu.memory_space<semaphore_mem>>)
        %dma_wait3A_53 = tpu.memref_slice %arg4[%add3A_46] : memref<320000xi32, #tpu.memory_space<hbm>> -> memref<80xi32, #tpu.memory_space<hbm>>
        %dma_wait3A_54 = tpu.memref_slice %arg4[%add3A_46] : memref<320000xi32, #tpu.memory_space<hbm>> -> memref<80xi32, #tpu.memory_space<hbm>>
        tpu.wait_dma2 semaphore(%run_scoped3A : memref<!tpu.dma_semaphore, #tpu.memory_space<semaphore_mem>>) src(%dma_wait3A_54 : memref<80xi32, #tpu.memory_space<hbm>>) dst(%arg10 : memref<80xi32, #tpu.memory_space<vmem>>)
        tpu.yield
      }) : () -> ()
      %dma_start3A = arith.constant 0 : i32
      %dma_start3A_47 = arith.constant 0 : i32
      %dma_start3A_48 = tpu.memref_slice %arg2[%dma_start3A, %dma_start3A_47] : memref<10000x128xf32, #tpu.memory_space<hbm>> -> memref<10000x128xf32, #tpu.memory_space<hbm>>
      tpu.enqueue_indirect_dma source(%dma_start3A_48 : memref<10000x128xf32, #tpu.memory_space<hbm>>) target(%arg11 : memref<80x128xf32, #tpu.memory_space<vmem>>) offsets(%arg9 : memref<80xi32, #tpu.memory_space<vmem>>) semaphore(%arg12 : memref<!tpu.dma_semaphore, #tpu.memory_space<semaphore_mem>>)
      %dma_wait3A = arith.constant 0 : i32
      %dma_wait3A_49 = arith.constant 0 : i32
      %dma_wait3A_50 = tpu.memref_slice %arg2[%dma_wait3A, %dma_wait3A_49] : memref<10000x128xf32, #tpu.memory_space<hbm>> -> memref<10000x128xf32, #tpu.memory_space<hbm>>
      tpu.wait_indirect_dma semaphore(%arg12 : memref<!tpu.dma_semaphore, #tpu.memory_space<semaphore_mem>>) src(%dma_wait3A_50 : memref<10000x128xf32, #tpu.memory_space<hbm>>) dst(%arg11 : memref<80x128xf32, #tpu.memory_space<vmem>>)
      "tpu.region"() ({
        %run_scoped3A = tpu.sem_alloc : memref<!tpu.dma_semaphore, #tpu.memory_space<semaphore_mem>>
        %dma_start3A_51 = arith.constant 0 : i32
        %dma_start3A_52 = arith.constant 0 : i32
        %dma_start3A_53 = tpu.memref_slice %arg7[%dma_start3A_51, %dma_start3A_52] : memref<10000x128xf32, #tpu.memory_space<vmem_shared>> -> memref<10000x128xf32, #tpu.memory_space<vmem_shared>>
        tpu.enqueue_indirect_dma source(%arg11 : memref<80x128xf32, #tpu.memory_space<vmem>>) target(%dma_start3A_53 : memref<10000x128xf32, #tpu.memory_space<vmem_shared>>) offsets(%arg10 : memref<80xi32, #tpu.memory_space<vmem>>) semaphore(%run_scoped3A : memref<!tpu.dma_semaphore, #tpu.memory_space<semaphore_mem>>) {add = true}
        %dma_wait3A_54 = arith.constant 0 : i32
        %dma_wait3A_55 = arith.constant 0 : i32
        %dma_wait3A_56 = tpu.memref_slice %arg7[%dma_wait3A_54, %dma_wait3A_55] : memref<10000x128xf32, #tpu.memory_space<vmem_shared>> -> memref<10000x128xf32, #tpu.memory_space<vmem_shared>>
        tpu.wait_indirect_dma semaphore(%run_scoped3A : memref<!tpu.dma_semaphore, #tpu.memory_space<semaphore_mem>>) src(%arg11 : memref<80x128xf32, #tpu.memory_space<vmem>>) dst(%dma_wait3A_56 : memref<10000x128xf32, #tpu.memory_space<vmem_shared>>)
        tpu.yield
      }) : () -> ()
      "tpu.region"() ({
        %run_scoped3A = tpu.sem_alloc : memref<!tpu.dma_semaphore, #tpu.memory_space<semaphore_mem>>
        %dma_start3A_51 = arith.constant 0 : i32
        %dma_start3A_52 = tpu.memref_slice %arg13[%dma_start3A_51] : memref<10240xf32, #tpu.memory_space<vmem_shared>> -> memref<10240xf32, #tpu.memory_space<vmem_shared>>
        tpu.enqueue_indirect_dma source(%arg15 : memref<80xf32, #tpu.memory_space<vmem>>) target(%dma_start3A_52 : memref<10240xf32, #tpu.memory_space<vmem_shared>>) offsets(%arg10 : memref<80xi32, #tpu.memory_space<vmem>>) semaphore(%run_scoped3A : memref<!tpu.dma_semaphore, #tpu.memory_space<semaphore_mem>>) {add = true}
        %dma_wait3A_53 = arith.constant 0 : i32
        %dma_wait3A_54 = tpu.memref_slice %arg13[%dma_wait3A_53] : memref<10240xf32, #tpu.memory_space<vmem_shared>> -> memref<10240xf32, #tpu.memory_space<vmem_shared>>
        tpu.wait_indirect_dma semaphore(%run_scoped3A : memref<!tpu.dma_semaphore, #tpu.memory_space<semaphore_mem>>) src(%arg15 : memref<80xf32, #tpu.memory_space<vmem>>) dst(%dma_wait3A_54 : memref<10240xf32, #tpu.memory_space<vmem_shared>>)
        tpu.yield
      }) : () -> ()
    }
    %scan3A_32 = arith.constant 125 : i32
    %barrier3A_33 = arith.constant 0 : index
    tpu.barrier barrier_id(%barrier3A_33)
    %lt3A_34 = arith.constant 10 : i32
    %lt3A_35 = arith.cmpi slt, %arg1, %lt3A_34 : i32
    %convert_element_type3A_36 = arith.extui %lt3A_35 : i1 to i32
    %cond3A_37 = arith.constant 0 : i32
    %cond3A_38 = arith.cmpi ne, %convert_element_type3A_36, %cond3A_37 : i32
    scf.if %cond3A_38 {
      "tpu.region"() ({
        %run_scoped3A = tpu.sem_alloc : memref<!tpu.dma_semaphore, #tpu.memory_space<semaphore_mem>>
        %dma_start3A = arith.constant 0 : i32
        %dma_start3A_43 = tpu.memref_slice %arg5[%arg0, %mul3A_19, %dma_start3A] : memref<2x10000x128xf32, #tpu.memory_space<hbm>> -> memref<1x1000x128xf32, #tpu.memory_space<hbm>>
        %dma_start3A_44 = tpu.memref_squeeze %dma_start3A_43 : memref<1x1000x128xf32, #tpu.memory_space<hbm>> -> memref<1000x128xf32, #tpu.memory_space<hbm>>
        %dma_start3A_45 = arith.constant 0 : i32
        %dma_start3A_46 = tpu.memref_slice %arg7[%mul3A_19, %dma_start3A_45] : memref<10000x128xf32, #tpu.memory_space<vmem_shared>> -> memref<1000x128xf32, #tpu.memory_space<vmem_shared>>
        tpu.enqueue_dma source(%dma_start3A_46 : memref<1000x128xf32, #tpu.memory_space<vmem_shared>>) target(%dma_start3A_44 : memref<1000x128xf32, #tpu.memory_space<hbm>>) target_semaphore(%run_scoped3A : memref<!tpu.dma_semaphore, #tpu.memory_space<semaphore_mem>>)
        %dma_wait3A = arith.constant 0 : i32
        %dma_wait3A_47 = tpu.memref_slice %arg5[%arg0, %mul3A_19, %dma_wait3A] : memref<2x10000x128xf32, #tpu.memory_space<hbm>> -> memref<1x1000x128xf32, #tpu.memory_space<hbm>>
        %dma_wait3A_48 = tpu.memref_squeeze %dma_wait3A_47 : memref<1x1000x128xf32, #tpu.memory_space<hbm>> -> memref<1000x128xf32, #tpu.memory_space<hbm>>
        %dma_wait3A_49 = arith.constant 0 : i32
        %dma_wait3A_50 = tpu.memref_slice %arg7[%mul3A_19, %dma_wait3A_49] : memref<10000x128xf32, #tpu.memory_space<vmem_shared>> -> memref<1000x128xf32, #tpu.memory_space<vmem_shared>>
        tpu.wait_dma2 semaphore(%run_scoped3A : memref<!tpu.dma_semaphore, #tpu.memory_space<semaphore_mem>>) src(%dma_wait3A_50 : memref<1000x128xf32, #tpu.memory_space<vmem_shared>>) dst(%dma_wait3A_48 : memref<1000x128xf32, #tpu.memory_space<hbm>>)
        tpu.yield
      }) : () -> ()
    } else {
    }
    %mul3A_39 = arith.constant 640 : i32
    %mul3A_40 = arith.muli %arg1, %mul3A_39 : i32
    %mul3A_41 = arith.constant 640 : i32
    %mul3A_42 = arith.muli %arg1, %mul3A_41 : i32
    "tpu.region"() ({
      %run_scoped3A = tpu.sem_alloc : memref<!tpu.dma_semaphore, #tpu.memory_space<semaphore_mem>>
      %dma_start3A = tpu.memref_slice %arg6[%arg0, %mul3A_42] : memref<2x10240xf32, #tpu.memory_space<hbm>> -> memref<1x640xf32, #tpu.memory_space<hbm>>
      %dma_start3A_43 = tpu.memref_squeeze %dma_start3A : memref<1x640xf32, #tpu.memory_space<hbm>> -> memref<640xf32, #tpu.memory_space<hbm>>
      %dma_start3A_44 = tpu.memref_slice %arg13[%mul3A_40] : memref<10240xf32, #tpu.memory_space<vmem_shared>> -> memref<640xf32, #tpu.memory_space<vmem_shared>>
      tpu.enqueue_dma source(%dma_start3A_44 : memref<640xf32, #tpu.memory_space<vmem_shared>>) target(%dma_start3A_43 : memref<640xf32, #tpu.memory_space<hbm>>) target_semaphore(%run_scoped3A : memref<!tpu.dma_semaphore, #tpu.memory_space<semaphore_mem>>)
      %dma_wait3A = tpu.memref_slice %arg6[%arg0, %mul3A_42] : memref<2x10240xf32, #tpu.memory_space<hbm>> -> memref<1x640xf32, #tpu.memory_space<hbm>>
      %dma_wait3A_45 = tpu.memref_squeeze %dma_wait3A : memref<1x640xf32, #tpu.memory_space<hbm>> -> memref<640xf32, #tpu.memory_space<hbm>>
      %dma_wait3A_46 = tpu.memref_slice %arg13[%mul3A_40] : memref<10240xf32, #tpu.memory_space<vmem_shared>> -> memref<640xf32, #tpu.memory_space<vmem_shared>>
      tpu.wait_dma2 semaphore(%run_scoped3A : memref<!tpu.dma_semaphore, #tpu.memory_space<semaphore_mem>>) src(%dma_wait3A_46 : memref<640xf32, #tpu.memory_space<vmem_shared>>) dst(%dma_wait3A_45 : memref<640xf32, #tpu.memory_space<hbm>>)
      tpu.yield
    }) : () -> ()
    return
  }
}

#map = affine_map<(d0, d1) -> (0, 0)>
#map1 = affine_map<(d0, d1) -> (0)>
module attributes {stable_mosaic.version = 14 : i64} {
  func.func @sc_score(%arg0: i32, %arg1: i32, %arg2: memref<10000x64xf32, #tpu.memory_space<hbm>>, %arg3: memref<102400xi32, #tpu.memory_space<hbm>>, %arg4: memref<102400xi32, #tpu.memory_space<hbm>>, %arg5: memref<102400x16xf32, #tpu.memory_space<hbm>>, %arg6: memref<128xi32, #tpu.memory_space<vmem>>, %arg7: memref<128xi32, #tpu.memory_space<vmem>>, %arg8: memref<128x64xf32, #tpu.memory_space<vmem>>, %arg9: memref<128x64xf32, #tpu.memory_space<vmem>>, %arg10: memref<128x16xf32, #tpu.memory_space<vmem>>, %arg11: memref<!tpu.dma_semaphore, #tpu.memory_space<semaphore_mem>>) attributes {dimension_semantics = [#tpu.dimension_semantics<core_parallel>, #tpu.dimension_semantics<subcore_parallel>], iteration_bounds = array<i64: 2, 16>, scalar_prefetch = 0 : i64, scratch_operands = 6 : i64, tpu.core_type = #tpu.core_type<sc_vector_subcore>, window_params = [{transform_indices = #map}, {transform_indices = #map1}, {transform_indices = #map1}, {transform_indices = #map}]} {
    %mul3A = arith.constant 16 : i32
    %mul3A_0 = arith.muli %arg0, %mul3A : i32
    %add3A = arith.addi %mul3A_0, %arg1 : i32
    %mul3A_1 = arith.constant 3200 : i32
    %mul3A_2 = arith.muli %add3A, %mul3A_1 : i32
    %scan3A = arith.constant 0 : i32
    %scan3A_3 = arith.constant 25 : i32
    %scan3A_4 = arith.addi %scan3A, %scan3A_3 : i32
    %scan3A_5 = arith.constant 1 : i32
    scf.for %scan3A_7 = %scan3A to %scan3A_4 step %scan3A_5  : i32 {
      %mul3A_8 = arith.constant 128 : i32
      %mul3A_9 = arith.muli %scan3A_7, %mul3A_8 : i32
      %add3A_10 = arith.addi %mul3A_2, %mul3A_9 : i32
      "tpu.region"() ({
        %run_scoped3A = tpu.sem_alloc : memref<!tpu.dma_semaphore, #tpu.memory_space<semaphore_mem>>
        %dma_start3A_26 = tpu.memref_slice %arg3[%add3A_10] : memref<102400xi32, #tpu.memory_space<hbm>> -> memref<128xi32, #tpu.memory_space<hbm>>
        %dma_start3A_27 = tpu.memref_slice %arg3[%add3A_10] : memref<102400xi32, #tpu.memory_space<hbm>> -> memref<128xi32, #tpu.memory_space<hbm>>
        tpu.enqueue_dma source(%dma_start3A_27 : memref<128xi32, #tpu.memory_space<hbm>>) target(%arg6 : memref<128xi32, #tpu.memory_space<vmem>>) target_semaphore(%run_scoped3A : memref<!tpu.dma_semaphore, #tpu.memory_space<semaphore_mem>>)
        %dma_wait3A_28 = tpu.memref_slice %arg3[%add3A_10] : memref<102400xi32, #tpu.memory_space<hbm>> -> memref<128xi32, #tpu.memory_space<hbm>>
        %dma_wait3A_29 = tpu.memref_slice %arg3[%add3A_10] : memref<102400xi32, #tpu.memory_space<hbm>> -> memref<128xi32, #tpu.memory_space<hbm>>
        tpu.wait_dma2 semaphore(%run_scoped3A : memref<!tpu.dma_semaphore, #tpu.memory_space<semaphore_mem>>) src(%dma_wait3A_29 : memref<128xi32, #tpu.memory_space<hbm>>) dst(%arg6 : memref<128xi32, #tpu.memory_space<vmem>>)
        tpu.yield
      }) : () -> ()
      "tpu.region"() ({
        %run_scoped3A = tpu.sem_alloc : memref<!tpu.dma_semaphore, #tpu.memory_space<semaphore_mem>>
        %dma_start3A_26 = tpu.memref_slice %arg4[%add3A_10] : memref<102400xi32, #tpu.memory_space<hbm>> -> memref<128xi32, #tpu.memory_space<hbm>>
        %dma_start3A_27 = tpu.memref_slice %arg4[%add3A_10] : memref<102400xi32, #tpu.memory_space<hbm>> -> memref<128xi32, #tpu.memory_space<hbm>>
        tpu.enqueue_dma source(%dma_start3A_27 : memref<128xi32, #tpu.memory_space<hbm>>) target(%arg7 : memref<128xi32, #tpu.memory_space<vmem>>) target_semaphore(%run_scoped3A : memref<!tpu.dma_semaphore, #tpu.memory_space<semaphore_mem>>)
        %dma_wait3A_28 = tpu.memref_slice %arg4[%add3A_10] : memref<102400xi32, #tpu.memory_space<hbm>> -> memref<128xi32, #tpu.memory_space<hbm>>
        %dma_wait3A_29 = tpu.memref_slice %arg4[%add3A_10] : memref<102400xi32, #tpu.memory_space<hbm>> -> memref<128xi32, #tpu.memory_space<hbm>>
        tpu.wait_dma2 semaphore(%run_scoped3A : memref<!tpu.dma_semaphore, #tpu.memory_space<semaphore_mem>>) src(%dma_wait3A_29 : memref<128xi32, #tpu.memory_space<hbm>>) dst(%arg7 : memref<128xi32, #tpu.memory_space<vmem>>)
        tpu.yield
      }) : () -> ()
      %dma_start3A = arith.constant 0 : i32
      %dma_start3A_11 = arith.constant 0 : i32
      %dma_start3A_12 = tpu.memref_slice %arg2[%dma_start3A, %dma_start3A_11] : memref<10000x64xf32, #tpu.memory_space<hbm>> -> memref<10000x64xf32, #tpu.memory_space<hbm>>
      tpu.enqueue_indirect_dma source(%dma_start3A_12 : memref<10000x64xf32, #tpu.memory_space<hbm>>) target(%arg8 : memref<128x64xf32, #tpu.memory_space<vmem>>) offsets(%arg6 : memref<128xi32, #tpu.memory_space<vmem>>) semaphore(%arg11 : memref<!tpu.dma_semaphore, #tpu.memory_space<semaphore_mem>>)
      %dma_wait3A = arith.constant 0 : i32
      %dma_wait3A_13 = arith.constant 0 : i32
      %dma_wait3A_14 = tpu.memref_slice %arg2[%dma_wait3A, %dma_wait3A_13] : memref<10000x64xf32, #tpu.memory_space<hbm>> -> memref<10000x64xf32, #tpu.memory_space<hbm>>
      tpu.wait_indirect_dma semaphore(%arg11 : memref<!tpu.dma_semaphore, #tpu.memory_space<semaphore_mem>>) src(%dma_wait3A_14 : memref<10000x64xf32, #tpu.memory_space<hbm>>) dst(%arg8 : memref<128x64xf32, #tpu.memory_space<vmem>>)
      %dma_start3A_15 = arith.constant 0 : i32
      %dma_start3A_16 = arith.constant 0 : i32
      %dma_start3A_17 = tpu.memref_slice %arg2[%dma_start3A_15, %dma_start3A_16] : memref<10000x64xf32, #tpu.memory_space<hbm>> -> memref<10000x64xf32, #tpu.memory_space<hbm>>
      tpu.enqueue_indirect_dma source(%dma_start3A_17 : memref<10000x64xf32, #tpu.memory_space<hbm>>) target(%arg9 : memref<128x64xf32, #tpu.memory_space<vmem>>) offsets(%arg7 : memref<128xi32, #tpu.memory_space<vmem>>) semaphore(%arg11 : memref<!tpu.dma_semaphore, #tpu.memory_space<semaphore_mem>>)
      %dma_wait3A_18 = arith.constant 0 : i32
      %dma_wait3A_19 = arith.constant 0 : i32
      %dma_wait3A_20 = tpu.memref_slice %arg2[%dma_wait3A_18, %dma_wait3A_19] : memref<10000x64xf32, #tpu.memory_space<hbm>> -> memref<10000x64xf32, #tpu.memory_space<hbm>>
      tpu.wait_indirect_dma semaphore(%arg11 : memref<!tpu.dma_semaphore, #tpu.memory_space<semaphore_mem>>) src(%dma_wait3A_20 : memref<10000x64xf32, #tpu.memory_space<hbm>>) dst(%arg9 : memref<128x64xf32, #tpu.memory_space<vmem>>)
      %scan3A_21 = arith.constant 0 : i32
      %scan3A_22 = arith.constant 128 : i32
      %scan3A_23 = arith.addi %scan3A_21, %scan3A_22 : i32
      %scan3A_24 = arith.constant 1 : i32
      scf.for %scan3A_26 = %scan3A_21 to %scan3A_23 step %scan3A_24  : i32 {
        %get3A = arith.index_cast %scan3A_26 : i32 to index
        %get3A_27 = arith.constant 0 : index
        %get3A_28 = tpu.vector_load %arg8[%get3A, %get3A_27] {strides = array<i32>} : memref<128x64xf32, #tpu.memory_space<vmem>>, vector<1x16xf32>,
        %get3A_29 = vector.shape_cast %get3A_28 : vector<1x16xf32> to vector<16xf32>
        %get3A_30 = arith.index_cast %scan3A_26 : i32 to index
        %get3A_31 = arith.constant 0 : index
        %get3A_32 = tpu.vector_load %arg9[%get3A_30, %get3A_31] {strides = array<i32>} : memref<128x64xf32, #tpu.memory_space<vmem>>, vector<1x16xf32>,
        %get3A_33 = vector.shape_cast %get3A_32 : vector<1x16xf32> to vector<16xf32>
        %mul3A_34 = arith.mulf %get3A_29, %get3A_33 : vector<16xf32>
        %get3A_35 = arith.index_cast %scan3A_26 : i32 to index
        %get3A_36 = arith.constant 16 : index
        %get3A_37 = tpu.vector_load %arg8[%get3A_35, %get3A_36] {strides = array<i32>} : memref<128x64xf32, #tpu.memory_space<vmem>>, vector<1x16xf32>,
        %get3A_38 = vector.shape_cast %get3A_37 : vector<1x16xf32> to vector<16xf32>
        %get3A_39 = arith.index_cast %scan3A_26 : i32 to index
        %get3A_40 = arith.constant 16 : index
        %get3A_41 = tpu.vector_load %arg9[%get3A_39, %get3A_40] {strides = array<i32>} : memref<128x64xf32, #tpu.memory_space<vmem>>, vector<1x16xf32>,
        %get3A_42 = vector.shape_cast %get3A_41 : vector<1x16xf32> to vector<16xf32>
        %mul3A_43 = arith.mulf %get3A_38, %get3A_42 : vector<16xf32>
        %add3A_44 = arith.addf %mul3A_34, %mul3A_43 : vector<16xf32>
        %get3A_45 = arith.index_cast %scan3A_26 : i32 to index
        %get3A_46 = arith.constant 32 : index
        %get3A_47 = tpu.vector_load %arg8[%get3A_45, %get3A_46] {strides = array<i32>} : memref<128x64xf32, #tpu.memory_space<vmem>>, vector<1x16xf32>,
        %get3A_48 = vector.shape_cast %get3A_47 : vector<1x16xf32> to vector<16xf32>
        %get3A_49 = arith.index_cast %scan3A_26 : i32 to index
        %get3A_50 = arith.constant 32 : index
        %get3A_51 = tpu.vector_load %arg9[%get3A_49, %get3A_50] {strides = array<i32>} : memref<128x64xf32, #tpu.memory_space<vmem>>, vector<1x16xf32>,
        %get3A_52 = vector.shape_cast %get3A_51 : vector<1x16xf32> to vector<16xf32>
        %mul3A_53 = arith.mulf %get3A_48, %get3A_52 : vector<16xf32>
        %add3A_54 = arith.addf %add3A_44, %mul3A_53 : vector<16xf32>
        %get3A_55 = arith.index_cast %scan3A_26 : i32 to index
        %get3A_56 = arith.constant 48 : index
        %get3A_57 = tpu.vector_load %arg8[%get3A_55, %get3A_56] {strides = array<i32>} : memref<128x64xf32, #tpu.memory_space<vmem>>, vector<1x16xf32>,
        %get3A_58 = vector.shape_cast %get3A_57 : vector<1x16xf32> to vector<16xf32>
        %get3A_59 = arith.index_cast %scan3A_26 : i32 to index
        %get3A_60 = arith.constant 48 : index
        %get3A_61 = tpu.vector_load %arg9[%get3A_59, %get3A_60] {strides = array<i32>} : memref<128x64xf32, #tpu.memory_space<vmem>>, vector<1x16xf32>,
        %get3A_62 = vector.shape_cast %get3A_61 : vector<1x16xf32> to vector<16xf32>
        %mul3A_63 = arith.mulf %get3A_58, %get3A_62 : vector<16xf32>
        %add3A_64 = arith.addf %add3A_54, %mul3A_63 : vector<16xf32>
        %swap3A = arith.index_cast %scan3A_26 : i32 to index
        %swap3A_65 = arith.constant 0 : index
        %swap3A_66 = tpu.vector_load %arg10[%swap3A, %swap3A_65] {strides = array<i32>} : memref<128x16xf32, #tpu.memory_space<vmem>>, vector<1x16xf32>,
        %swap3A_67 = vector.shape_cast %swap3A_66 : vector<1x16xf32> to vector<16xf32>
        %swap3A_68 = vector.shape_cast %add3A_64 : vector<16xf32> to vector<1x16xf32>
        tpu.vector_store %arg10[%swap3A, %swap3A_65], %swap3A_68 {strides = array<i32>} : memref<128x16xf32, #tpu.memory_space<vmem>>, vector<1x16xf32>,
      }
      %scan3A_25 = arith.constant 128 : i32
      "tpu.region"() ({
        %run_scoped3A = tpu.sem_alloc : memref<!tpu.dma_semaphore, #tpu.memory_space<semaphore_mem>>
        %dma_start3A_26 = arith.constant 0 : i32
        %dma_start3A_27 = tpu.memref_slice %arg5[%add3A_10, %dma_start3A_26] : memref<102400x16xf32, #tpu.memory_space<hbm>> -> memref<128x16xf32, #tpu.memory_space<hbm>>
        %dma_start3A_28 = arith.constant 0 : i32
        %dma_start3A_29 = tpu.memref_slice %arg5[%add3A_10, %dma_start3A_28] : memref<102400x16xf32, #tpu.memory_space<hbm>> -> memref<128x16xf32, #tpu.memory_space<hbm>>
        tpu.enqueue_dma source(%arg10 : memref<128x16xf32, #tpu.memory_space<vmem>>) target(%dma_start3A_29 : memref<128x16xf32, #tpu.memory_space<hbm>>) target_semaphore(%run_scoped3A : memref<!tpu.dma_semaphore, #tpu.memory_space<semaphore_mem>>)
        %dma_wait3A_30 = arith.constant 0 : i32
        %dma_wait3A_31 = tpu.memref_slice %arg5[%add3A_10, %dma_wait3A_30] : memref<102400x16xf32, #tpu.memory_space<hbm>> -> memref<128x16xf32, #tpu.memory_space<hbm>>
        %dma_wait3A_32 = arith.constant 0 : i32
        %dma_wait3A_33 = tpu.memref_slice %arg5[%add3A_10, %dma_wait3A_32] : memref<102400x16xf32, #tpu.memory_space<hbm>> -> memref<128x16xf32, #tpu.memory_space<hbm>>
        tpu.wait_dma2 semaphore(%run_scoped3A : memref<!tpu.dma_semaphore, #tpu.memory_space<semaphore_mem>>) src(%arg10 : memref<128x16xf32, #tpu.memory_space<vmem>>) dst(%dma_wait3A_33 : memref<128x16xf32, #tpu.memory_space<hbm>>)
        tpu.yield
      }) : () -> ()
    }
    %scan3A_6 = arith.constant 25 : i32
    return
  }
}

module attributes {stable_mosaic.version = 14 : i64} {
  func.func @body(%arg0: i32, %arg1: memref<2000x128xf32, #tpu.memory_space<vmem>>, %arg2: memref<128x128xf32, #tpu.memory_space<vmem>>, %arg3: memref<128x128xf32, #tpu.memory_space<vmem>>, %arg4: memref<1x128xf32, #tpu.memory_space<vmem>>, %arg5: memref<2000x128xf32, #tpu.memory_space<vmem>>, %arg6: memref<2000x128xf32, #tpu.memory_space<vmem>>) attributes {dimension_semantics = [#tpu.dimension_semantics<arbitrary>], iteration_bounds = array<i64: 5>, scalar_prefetch = 0 : i64, scratch_operands = 0 : i64, tpu.core_type = #tpu.core_type<tc>, window_params = [{transform_indices = @transform_0, window_bounds = array<i64: 2000, 128>}, {pipeline_mode = #tpu.pipeline_mode<synchronous>, transform_indices = @transform_1, window_bounds = array<i64: 128, 128>}, {pipeline_mode = #tpu.pipeline_mode<synchronous>, transform_indices = @transform_2, window_bounds = array<i64: 128, 128>}, {pipeline_mode = #tpu.pipeline_mode<synchronous>, transform_indices = @transform_3, window_bounds = array<i64: 1, 128>}, {transform_indices = @transform_4, window_bounds = array<i64: 2000, 128>}, {transform_indices = @transform_5, window_bounds = array<i64: 2000, 128>}]} {
    %get3A = arith.constant 0 : index
    %get3A_0 = arith.constant 0 : index
    %get3A_1 = vector.load %arg1[%get3A, %get3A_0] : memref<2000x128xf32, #tpu.memory_space<vmem>>, vector<2000x128xf32>
    %get3A_2 = arith.constant 0 : index
    %get3A_3 = arith.constant 0 : index
    %get3A_4 = vector.load %arg2[%get3A_2, %get3A_3] : memref<128x128xf32, #tpu.memory_space<vmem>>, vector<128x128xf32>
    %dot_general3A = arith.constant dense<0.000000e+00> : vector<2000x128xf32>
    %dot_general3A_5 = tpu.matmul %get3A_1, %get3A_4, %dot_general3A {dimension_numbers = #tpu.dot_dimension_numbers<[1], [0], [0], [1], [0, 0, 1, 1], [], []>, transpose_lhs_hint = false} : vector<2000x128xf32>, vector<128x128xf32>, vector<2000x128xf32> -> vector<2000x128xf32>
    %swap3A = arith.constant 0 : index
    %swap3A_6 = arith.constant 0 : index
    %swap3A_7 = vector.load %arg5[%swap3A, %swap3A_6] : memref<2000x128xf32, #tpu.memory_space<vmem>>, vector<2000x128xf32>
    tpu.vector_store %arg5[%swap3A, %swap3A_6], %dot_general3A_5 {strides = array<i32>} : memref<2000x128xf32, #tpu.memory_space<vmem>>, vector<2000x128xf32>,
    %get3A_8 = arith.constant 0 : index
    %get3A_9 = arith.constant 0 : index
    %get3A_10 = vector.load %arg3[%get3A_8, %get3A_9] : memref<128x128xf32, #tpu.memory_space<vmem>>, vector<128x128xf32>
    %dot_general3A_11 = arith.constant dense<0.000000e+00> : vector<2000x128xf32>
    %dot_general3A_12 = tpu.matmul %get3A_1, %get3A_10, %dot_general3A_11 {dimension_numbers = #tpu.dot_dimension_numbers<[1], [0], [0], [1], [0, 0, 1, 1], [], []>, transpose_lhs_hint = false} : vector<2000x128xf32>, vector<128x128xf32>, vector<2000x128xf32> -> vector<2000x128xf32>
    %get3A_13 = arith.constant 0 : index
    %get3A_14 = arith.constant 0 : index
    %get3A_15 = vector.load %arg4[%get3A_13, %get3A_14] : memref<1x128xf32, #tpu.memory_space<vmem>>, vector<1x128xf32>
    %add3A = vector.broadcast %get3A_15 : vector<1x128xf32> to vector<2000x128xf32>
    %add3A_16 = arith.addf %dot_general3A_12, %add3A : vector<2000x128xf32>
    %swap3A_17 = arith.constant 0 : index
    %swap3A_18 = arith.constant 0 : index
    %swap3A_19 = vector.load %arg6[%swap3A_17, %swap3A_18] : memref<2000x128xf32, #tpu.memory_space<vmem>>, vector<2000x128xf32>
    tpu.vector_store %arg6[%swap3A_17, %swap3A_18], %add3A_16 {strides = array<i32>} : memref<2000x128xf32, #tpu.memory_space<vmem>>, vector<2000x128xf32>,
    return
  }
  func.func @transform_0(%arg0: i32) -> (i32, i32) {
    %c0_i32 = arith.constant 0 : i32
    %c0_i32_0 = arith.constant 0 : i32
    return %arg0, %c0_i32 : i32, i32
  }
  func.func @transform_1(%arg0: i32) -> (i32, i32) {
    %c0_i32 = arith.constant 0 : i32
    %c0_i32_0 = arith.constant 0 : i32
    %c0_i32_1 = arith.constant 0 : i32
    return %c0_i32, %c0_i32_0 : i32, i32
  }
  func.func @transform_2(%arg0: i32) -> (i32, i32) {
    %c0_i32 = arith.constant 0 : i32
    %c0_i32_0 = arith.constant 0 : i32
    %c0_i32_1 = arith.constant 0 : i32
    return %c0_i32, %c0_i32_0 : i32, i32
  }
  func.func @transform_3(%arg0: i32) -> (i32, i32) {
    %c0_i32 = arith.constant 0 : i32
    %c0_i32_0 = arith.constant 0 : i32
    %c0_i32_1 = arith.constant 0 : i32
    return %c0_i32, %c0_i32_0 : i32, i32
  }
  func.func @transform_4(%arg0: i32) -> (i32, i32) {
    %c0_i32 = arith.constant 0 : i32
    %c0_i32_0 = arith.constant 0 : i32
    return %arg0, %c0_i32 : i32, i32
  }
  func.func @transform_5(%arg0: i32) -> (i32, i32) {
    %c0_i32 = arith.constant 0 : i32
    %c0_i32_0 = arith.constant 0 : i32
    return %arg0, %c0_i32 : i32, i32
  }
}

module attributes {stable_mosaic.version = 14 : i64} {
  func.func @body(%arg0: i32, %arg1: memref<2x2000x128xf32, #tpu.memory_space<vmem>>, %arg2: memref<2000x2xf32, #tpu.memory_space<vmem>>, %arg3: memref<2000x128xf32, #tpu.memory_space<vmem>>, %arg4: memref<128x64xf32, #tpu.memory_space<vmem>>, %arg5: memref<128x64xf32, #tpu.memory_space<vmem>>, %arg6: memref<1x64xf32, #tpu.memory_space<vmem>>, %arg7: memref<2000x64xf32, #tpu.memory_space<vmem>>, %arg8: memref<2000x64xf32, #tpu.memory_space<vmem>>) attributes {dimension_semantics = [#tpu.dimension_semantics<arbitrary>], iteration_bounds = array<i64: 5>, scalar_prefetch = 0 : i64, scratch_operands = 0 : i64, tpu.core_type = #tpu.core_type<tc>, window_params = [{transform_indices = @transform_0, window_bounds = array<i64: 2, 2000, 128>}, {transform_indices = @transform_1, window_bounds = array<i64: 2000, 2>}, {transform_indices = @transform_2, window_bounds = array<i64: 2000, 128>}, {pipeline_mode = #tpu.pipeline_mode<synchronous>, transform_indices = @transform_3, window_bounds = array<i64: 128, 64>}, {pipeline_mode = #tpu.pipeline_mode<synchronous>, transform_indices = @transform_4, window_bounds = array<i64: 128, 64>}, {pipeline_mode = #tpu.pipeline_mode<synchronous>, transform_indices = @transform_5, window_bounds = array<i64: 1, 64>}, {transform_indices = @transform_6, window_bounds = array<i64: 2000, 64>}, {transform_indices = @transform_7, window_bounds = array<i64: 2000, 64>}]} {
    %get3A = arith.constant 0 : index
    %get3A_0 = arith.constant 0 : index
    %get3A_1 = vector.load %arg2[%get3A, %get3A_0] : memref<2000x2xf32, #tpu.memory_space<vmem>>, vector<2000x1xf32>
    %get3A_2 = arith.constant 0 : index
    %get3A_3 = arith.constant 1 : index
    %get3A_4 = vector.load %arg2[%get3A_2, %get3A_3] : memref<2000x2xf32, #tpu.memory_space<vmem>>, vector<2000x1xf32>
    %add3A = arith.addf %get3A_1, %get3A_4 : vector<2000x1xf32>
    %max3A = arith.constant 1.000000e+00 : f32
    %max3A_5 = vector.broadcast %max3A : f32 to vector<2000x1xf32>
    %max3A_6 = arith.maximumf %add3A, %max3A_5 : vector<2000x1xf32>
    %div3A = arith.constant 1.000000e+00 : f32
    %div3A_7 = vector.broadcast %div3A : f32 to vector<2000x1xf32>
    %div3A_8 = arith.divf %div3A_7, %max3A_6 : vector<2000x1xf32>
    %get3A_9 = arith.constant 0 : index
    %get3A_10 = arith.constant 0 : index
    %get3A_11 = arith.constant 0 : index
    %get3A_12 = vector.load %arg1[%get3A_9, %get3A_10, %get3A_11] : memref<2x2000x128xf32, #tpu.memory_space<vmem>>, vector<1x2000x128xf32>
    %get3A_13 = vector.shape_cast %get3A_12 : vector<1x2000x128xf32> to vector<2000x128xf32>
    %get3A_14 = arith.constant 1 : index
    %get3A_15 = arith.constant 0 : index
    %get3A_16 = arith.constant 0 : index
    %get3A_17 = vector.load %arg1[%get3A_14, %get3A_15, %get3A_16] : memref<2x2000x128xf32, #tpu.memory_space<vmem>>, vector<1x2000x128xf32>
    %get3A_18 = vector.shape_cast %get3A_17 : vector<1x2000x128xf32> to vector<2000x128xf32>
    %add3A_19 = arith.addf %get3A_13, %get3A_18 : vector<2000x128xf32>
    %mul3A = vector.broadcast %div3A_8 : vector<2000x1xf32> to vector<2000x128xf32>
    %mul3A_20 = arith.mulf %add3A_19, %mul3A : vector<2000x128xf32>
    %get3A_21 = arith.constant 0 : index
    %get3A_22 = arith.constant 0 : index
    %get3A_23 = vector.load %arg3[%get3A_21, %get3A_22] : memref<2000x128xf32, #tpu.memory_space<vmem>>, vector<2000x128xf32>
    %add3A_24 = arith.addf %mul3A_20, %get3A_23 : vector<2000x128xf32>
    %max3A_25 = arith.constant 0.000000e+00 : f32
    %max3A_26 = vector.broadcast %max3A_25 : f32 to vector<2000x128xf32>
    %max3A_27 = arith.maximumf %add3A_24, %max3A_26 : vector<2000x128xf32>
    %get3A_28 = arith.constant 0 : index
    %get3A_29 = arith.constant 0 : index
    %get3A_30 = vector.load %arg4[%get3A_28, %get3A_29] : memref<128x64xf32, #tpu.memory_space<vmem>>, vector<128x64xf32>
    %dot_general3A = arith.constant dense<0.000000e+00> : vector<2000x64xf32>
    %dot_general3A_31 = tpu.matmul %max3A_27, %get3A_30, %dot_general3A {dimension_numbers = #tpu.dot_dimension_numbers<[1], [0], [0], [1], [0, 0, 1, 1], [], []>, transpose_lhs_hint = false} : vector<2000x128xf32>, vector<128x64xf32>, vector<2000x64xf32> -> vector<2000x64xf32>
    %swap3A = arith.constant 0 : index
    %swap3A_32 = arith.constant 0 : index
    %swap3A_33 = vector.load %arg7[%swap3A, %swap3A_32] : memref<2000x64xf32, #tpu.memory_space<vmem>>, vector<2000x64xf32>
    tpu.vector_store %arg7[%swap3A, %swap3A_32], %dot_general3A_31 {strides = array<i32>} : memref<2000x64xf32, #tpu.memory_space<vmem>>, vector<2000x64xf32>,
    %get3A_34 = arith.constant 0 : index
    %get3A_35 = arith.constant 0 : index
    %get3A_36 = vector.load %arg5[%get3A_34, %get3A_35] : memref<128x64xf32, #tpu.memory_space<vmem>>, vector<128x64xf32>
    %dot_general3A_37 = arith.constant dense<0.000000e+00> : vector<2000x64xf32>
    %dot_general3A_38 = tpu.matmul %max3A_27, %get3A_36, %dot_general3A_37 {dimension_numbers = #tpu.dot_dimension_numbers<[1], [0], [0], [1], [0, 0, 1, 1], [], []>, transpose_lhs_hint = false} : vector<2000x128xf32>, vector<128x64xf32>, vector<2000x64xf32> -> vector<2000x64xf32>
    %get3A_39 = arith.constant 0 : index
    %get3A_40 = arith.constant 0 : index
    %get3A_41 = vector.load %arg6[%get3A_39, %get3A_40] : memref<1x64xf32, #tpu.memory_space<vmem>>, vector<1x64xf32>
    %add3A_42 = vector.broadcast %get3A_41 : vector<1x64xf32> to vector<2000x64xf32>
    %add3A_43 = arith.addf %dot_general3A_38, %add3A_42 : vector<2000x64xf32>
    %swap3A_44 = arith.constant 0 : index
    %swap3A_45 = arith.constant 0 : index
    %swap3A_46 = vector.load %arg8[%swap3A_44, %swap3A_45] : memref<2000x64xf32, #tpu.memory_space<vmem>>, vector<2000x64xf32>
    tpu.vector_store %arg8[%swap3A_44, %swap3A_45], %add3A_43 {strides = array<i32>} : memref<2000x64xf32, #tpu.memory_space<vmem>>, vector<2000x64xf32>,
    return
  }
  func.func @transform_0(%arg0: i32) -> (i32, i32, i32) {
    %c0_i32 = arith.constant 0 : i32
    %c0_i32_0 = arith.constant 0 : i32
    %c0_i32_1 = arith.constant 0 : i32
    return %c0_i32, %arg0, %c0_i32_0 : i32, i32, i32
  }
  func.func @transform_1(%arg0: i32) -> (i32, i32) {
    %c0_i32 = arith.constant 0 : i32
    %c0_i32_0 = arith.constant 0 : i32
    return %arg0, %c0_i32 : i32, i32
  }
  func.func @transform_2(%arg0: i32) -> (i32, i32) {
    %c0_i32 = arith.constant 0 : i32
    %c0_i32_0 = arith.constant 0 : i32
    return %arg0, %c0_i32 : i32, i32
  }
  func.func @transform_3(%arg0: i32) -> (i32, i32) {
    %c0_i32 = arith.constant 0 : i32
    %c0_i32_0 = arith.constant 0 : i32
    %c0_i32_1 = arith.constant 0 : i32
    return %c0_i32, %c0_i32_0 : i32, i32
  }
  func.func @transform_4(%arg0: i32) -> (i32, i32) {
    %c0_i32 = arith.constant 0 : i32
    %c0_i32_0 = arith.constant 0 : i32
    %c0_i32_1 = arith.constant 0 : i32
    return %c0_i32, %c0_i32_0 : i32, i32
  }
  func.func @transform_5(%arg0: i32) -> (i32, i32) {
    %c0_i32 = arith.constant 0 : i32
    %c0_i32_0 = arith.constant 0 : i32
    %c0_i32_1 = arith.constant 0 : i32
    return %c0_i32, %c0_i32_0 : i32, i32
  }
  func.func @transform_6(%arg0: i32) -> (i32, i32) {
    %c0_i32 = arith.constant 0 : i32
    %c0_i32_0 = arith.constant 0 : i32
    return %arg0, %c0_i32 : i32, i32
  }
  func.func @transform_7(%arg0: i32) -> (i32, i32) {
    %c0_i32 = arith.constant 0 : i32
    %c0_i32_0 = arith.constant 0 : i32
    return %arg0, %c0_i32 : i32, i32
  }
}

module attributes {stable_mosaic.version = 14 : i64} {
  func.func @body(%arg0: i32, %arg1: memref<2x2000x64xf32, #tpu.memory_space<vmem>>, %arg2: memref<2000x2xf32, #tpu.memory_space<vmem>>, %arg3: memref<2000x64xf32, #tpu.memory_space<vmem>>, %arg4: memref<2000x64xf32, #tpu.memory_space<vmem>>) attributes {dimension_semantics = [#tpu.dimension_semantics<arbitrary>], iteration_bounds = array<i64: 5>, scalar_prefetch = 0 : i64, scratch_operands = 0 : i64, tpu.core_type = #tpu.core_type<tc>, window_params = [{transform_indices = @transform_0, window_bounds = array<i64: 2, 2000, 64>}, {transform_indices = @transform_1, window_bounds = array<i64: 2000, 2>}, {transform_indices = @transform_2, window_bounds = array<i64: 2000, 64>}, {transform_indices = @transform_3, window_bounds = array<i64: 2000, 64>}]} {
    %get3A = arith.constant 0 : index
    %get3A_0 = arith.constant 0 : index
    %get3A_1 = vector.load %arg2[%get3A, %get3A_0] : memref<2000x2xf32, #tpu.memory_space<vmem>>, vector<2000x1xf32>
    %get3A_2 = arith.constant 0 : index
    %get3A_3 = arith.constant 1 : index
    %get3A_4 = vector.load %arg2[%get3A_2, %get3A_3] : memref<2000x2xf32, #tpu.memory_space<vmem>>, vector<2000x1xf32>
    %add3A = arith.addf %get3A_1, %get3A_4 : vector<2000x1xf32>
    %max3A = arith.constant 1.000000e+00 : f32
    %max3A_5 = vector.broadcast %max3A : f32 to vector<2000x1xf32>
    %max3A_6 = arith.maximumf %add3A, %max3A_5 : vector<2000x1xf32>
    %div3A = arith.constant 1.000000e+00 : f32
    %div3A_7 = vector.broadcast %div3A : f32 to vector<2000x1xf32>
    %div3A_8 = arith.divf %div3A_7, %max3A_6 : vector<2000x1xf32>
    %get3A_9 = arith.constant 0 : index
    %get3A_10 = arith.constant 0 : index
    %get3A_11 = arith.constant 0 : index
    %get3A_12 = vector.load %arg1[%get3A_9, %get3A_10, %get3A_11] : memref<2x2000x64xf32, #tpu.memory_space<vmem>>, vector<1x2000x64xf32>
    %get3A_13 = vector.shape_cast %get3A_12 : vector<1x2000x64xf32> to vector<2000x64xf32>
    %get3A_14 = arith.constant 1 : index
    %get3A_15 = arith.constant 0 : index
    %get3A_16 = arith.constant 0 : index
    %get3A_17 = vector.load %arg1[%get3A_14, %get3A_15, %get3A_16] : memref<2x2000x64xf32, #tpu.memory_space<vmem>>, vector<1x2000x64xf32>
    %get3A_18 = vector.shape_cast %get3A_17 : vector<1x2000x64xf32> to vector<2000x64xf32>
    %add3A_19 = arith.addf %get3A_13, %get3A_18 : vector<2000x64xf32>
    %mul3A = vector.broadcast %div3A_8 : vector<2000x1xf32> to vector<2000x64xf32>
    %mul3A_20 = arith.mulf %add3A_19, %mul3A : vector<2000x64xf32>
    %get3A_21 = arith.constant 0 : index
    %get3A_22 = arith.constant 0 : index
    %get3A_23 = vector.load %arg3[%get3A_21, %get3A_22] : memref<2000x64xf32, #tpu.memory_space<vmem>>, vector<2000x64xf32>
    %add3A_24 = arith.addf %mul3A_20, %get3A_23 : vector<2000x64xf32>
    %swap3A = arith.constant 0 : index
    %swap3A_25 = arith.constant 0 : index
    %swap3A_26 = vector.load %arg4[%swap3A, %swap3A_25] : memref<2000x64xf32, #tpu.memory_space<vmem>>, vector<2000x64xf32>
    tpu.vector_store %arg4[%swap3A, %swap3A_25], %add3A_24 {strides = array<i32>} : memref<2000x64xf32, #tpu.memory_space<vmem>>, vector<2000x64xf32>,
    return
  }
  func.func @transform_0(%arg0: i32) -> (i32, i32, i32) {
    %c0_i32 = arith.constant 0 : i32
    %c0_i32_0 = arith.constant 0 : i32
    %c0_i32_1 = arith.constant 0 : i32
    return %c0_i32, %arg0, %c0_i32_0 : i32, i32, i32
  }
  func.func @transform_1(%arg0: i32) -> (i32, i32) {
    %c0_i32 = arith.constant 0 : i32
    %c0_i32_0 = arith.constant 0 : i32
    return %arg0, %c0_i32 : i32, i32
  }
  func.func @transform_2(%arg0: i32) -> (i32, i32) {
    %c0_i32 = arith.constant 0 : i32
    %c0_i32_0 = arith.constant 0 : i32
    return %arg0, %c0_i32 : i32, i32
  }
  func.func @transform_3(%arg0: i32) -> (i32, i32) {
    %c0_i32 = arith.constant 0 : i32
    %c0_i32_0 = arith.constant 0 : i32
    return %arg0, %c0_i32 : i32, i32
  }
}

module attributes {stable_mosaic.version = 14 : i64} {
  func.func @body(%arg0: i32, %arg1: memref<6400x16xf32, #tpu.memory_space<vmem>>, %arg2: memref<6400x1xf32, #tpu.memory_space<vmem>>) attributes {dimension_semantics = [#tpu.dimension_semantics<arbitrary>], iteration_bounds = array<i64: 16>, scalar_prefetch = 0 : i64, scratch_operands = 0 : i64, tpu.core_type = #tpu.core_type<tc>, window_params = [{transform_indices = @transform_0, window_bounds = array<i64: 6400, 16>}, {transform_indices = @transform_1, window_bounds = array<i64: 6400, 1>}]} {
    %get3A = arith.constant 0 : index
    %get3A_0 = arith.constant 0 : index
    %get3A_1 = vector.load %arg1[%get3A, %get3A_0] : memref<6400x16xf32, #tpu.memory_space<vmem>>, vector<6400x16xf32>
    %reduce_sum3A = arith.constant dense<0.000000e+00> : vector<6400xf32>
    %reduce_sum3A_2 = vector.multi_reduction <add>, %get3A_1, %reduce_sum3A [1] : vector<6400x16xf32> to vector<6400xf32>
    %broadcast_in_dim3A = vector.shape_cast %reduce_sum3A_2 : vector<6400xf32> to vector<6400x1xf32>
    %swap3A = arith.constant 0 : index
    %swap3A_3 = arith.constant 0 : index
    %swap3A_4 = vector.load %arg2[%swap3A, %swap3A_3] : memref<6400x1xf32, #tpu.memory_space<vmem>>, vector<6400x1xf32>
    tpu.vector_store %arg2[%swap3A, %swap3A_3], %broadcast_in_dim3A {strides = array<i32>} : memref<6400x1xf32, #tpu.memory_space<vmem>>, vector<6400x1xf32>,
    return
  }
  func.func @transform_0(%arg0: i32) -> (i32, i32) {
    %c0_i32 = arith.constant 0 : i32
    %c0_i32_0 = arith.constant 0 : i32
    return %arg0, %c0_i32 : i32, i32
  }
  func.func @transform_1(%arg0: i32) -> (i32, i32) {
    %c0_i32 = arith.constant 0 : i32
    %c0_i32_0 = arith.constant 0 : i32
    return %arg0, %c0_i32 : i32, i32
  }
}

</mosaic_0001>

<sc_bundles>
// kernel: sc_score.3.cloned.1.call-start
scs
__scs_entry_jumppad:
0x0: {  	(pc) =	sbr.rel $0x88, $3  }
0x1: {  	(tag) =	ssettag $0x0;
	lr =	simm.s32 $0x1  }
0x2: {  	[smem:$0x3F98] =	sst lr;
	_ =	strace $0xD0000000  }
0x3: {  	_ = 	snop  }
0x4: {  	_ = 	snop  }
0x5: {  	_ = 	snop  }
0x6: {  	_ = 	snop  }
0x7: {  	_ = 	snop  }
__scs_overlays_trampoline_lowered:
0x8: {  	[smem:$0x3FA7] =	sst s0  }
0x9: {  	[smem:$0x3FA8] =	sst s1  }
0xa: {  	[smem:$0x3FA9] =	sst s2  }
0xb: {  	[smem:$0x3FAA] =	sst s3  }
0xc: {  	[smem:$0x3FAB] =	sst s4  }
0xd: {  	[smem:$0x3FAC] =	sst s5  }
0xe: {  	[smem:$0x3FAD] =	sst s6  }
0xf: {  	[smem:$0x3FAE] =	sst s7  }
0x10: {  	[smem:$0x3FAF] =	sst s8  }
0x11: {  	[smem:$0x3FB0] =	sst s9;
	s0 =	simm.s32 @!p0 $0x0  }
0x12: {  	s1 =	sld [smem:$0x3F96];
	s0 =	simm.s32 @p0 $0x1  }
0x13: {  	[smem:$0x3FB1] =	sst s0;
	s0 =	simm.s32 @!p1 $0x0  }
0x14: {  	s2 =	sld [smem:$0x3F95];
	s0 =	simm.s32 @p1 $0x1  }
0x15: {  	[smem:$0x3FB2] =	sst s0;
	s0 =	simm.s32 @!p2 $0x0  }
0x16: {  	s3 =	sld [smem:$0x3FDB];
	s0 =	simm.s32 @p2 $0x1  }
0x17: {  	s4 =	simm.s32 $0x1BF5;
	[smem:$0x3FB4] =	sst s0  }
0x18: {  	s0 =	sld [smem:$0x3F97];
	_ =	swait.ge [sflag:s4], $0x0  }
0x19: {  	s7 =	sld [smem:$0x3F98]  }
0x1a: {  	s8 =	sadd.s32 $0xFFFFE003, lr  }
0x1b: {  	s9 =	sadd.s32 $0xFFFFFEF7, lr;
	s5 =	simm.s32 $0xFFFFFFFF;
	p2 =	slt.u32 s8, $0xFFFFF086  }
0x1c: {  	p1 =	slt.u32 s9, $0xF7A;
	s5 =	simm.s32 @!p2 $0x0  }
0x1d: {  	s5 =	simm.s32 @p1 $0x1;
	p0 =	seq.s32 s7, s2  }
0x1e: {  	s7 =	smul.u32 @!p0 $0xF7A, s2;
	p2 =	seq.s32 @!p0 s5, $0x0  }
0x1f: {  	s9 =	smul.u32 $0xF7A, s1;
	s8 =	simm.s32 @!p0 $0x1BF5;
	p2 =	por !p2, p0  }
0x20: {  	[sflag:s8] =	ssyncset.s32 @!p0 $0xFFFFF086;
	s6 =	sadd.s32 @!p0 s3, s7;
	s7 =	simm.s32 @!p0 $0x108  }
0x21: {  	s3 =	sadd.s32 s3, s9;
	s6 =	sadd.s32 @!p0 $0x88, s6;
	s7 =	simm.s32 @p2 $0x1082  }
0x22: {  	[simem:s7], [sflag:s8] =	dma.local @!p0 [hbm:s6], $0xF7A  }
0x23: {  	s9 =	sor.u32 $0xD0000000, s2;
	s6 =	simm.s32 $0x108;
	_ =	swait.ge @!p0 [sflag:s8], $0x0  }
0x24: {  	s3 =	sadd.s32 $0x88, s3;
	s6 =	simm.s32 @!p1 $0x1082;
	[sflag:s4] =	ssyncset.s32 $0xFFFFF086  }
0x25: {  	[simem:s6], [sflag:s4] =	dma.local [hbm:s3], $0xF7A  }
0x26: {  	[smem:$0x3F98] =	sst s1;
	(tag) =	ssettag s2;
	_ =	strace s9  }
0x27: {  	s1 =	sld [smem:$0x3FA8]  }
0x28: {  	s2 =	sld [smem:$0x3FA9]  }
0x29: {  	s4 =	sld [smem:$0x3FAB]  }
0x2a: {  	p0 =	seq.s32 s5, $0x0;
	s5 =	sld [smem:$0x3FAC]  }
0x2b: {  	s6 =	sld [smem:$0x3FAD]  }
0x2c: {  	s7 =	sld [smem:$0x3FAE]  }
0x2d: {  	s3 =	simm.s32 $0x108;
	s8 =	sld [smem:$0x3FAF]  }
0x2e: {  	s3 =	simm.s32 @!p0 $0x1082;
	s9 =	sld [smem:$0x3FB0]  }
0x2f: {  	lr =	sadd.s32 s0, s3;
	s0 =	sld [smem:$0x3FA7]  }
0x30: {  	s3 =	sld [smem:$0x3FAA]  }
0x31: {  	[smem:$0x3FB3] =	sst s10  }
0x32: {  	s10 =	sld [smem:$0x3FB1];
	_ =	sdelay $0x3  }
0x33: {  	p0 =	seq.s32 s10, $0x1;
	s10 =	sld [smem:$0x3FB3];
	_ =	sdelay $0x3  }
0x34: {  	[smem:$0x3FB3] =	sst s10  }
0x35: {  	s10 =	sld [smem:$0x3FB2];
	_ =	sdelay $0x3  }
0x36: {  	p1 =	seq.s32 s10, $0x1;
	s10 =	sld [smem:$0x3FB3];
	_ =	sdelay $0x3  }
0x37: {  	[smem:$0x3FB3] =	sst s10  }
0x38: {  	s10 =	sld [smem:$0x3FB4]  }
0x39: {  	_ = 	snop;
	(pc) =	sbr.ind lr, $3  }
0x3a: {  	_ = 	snop  }
0x3b: {  	_ = 	snop  }
0x3c: {  	p2 =	seq.s32 s10, $0x1;
	s10 =	sld [smem:$0x3FB3]  }
0x3d: {  	_ =	shalt  }
0x3e: {  	_ =	shalt  }
0x3f: {  	_ =	shalt  }
0x40: {  	_ =	shalt  }
0x41: {  	_ =	shalt  }
0x42: {  	_ =	shalt  }
0x43: {  	_ =	shalt  }
0x44: {  	_ =	shalt  }
0x45: {  	_ =	shalt  }
0x46: {  	_ =	shalt  }
0x47: {  	_ =	shalt  }
0x48: {  	_ =	shalt  }
0x49: {  	_ =	shalt  }
0x4a: {  	_ =	shalt  }
0x4b: {  	_ =	shalt  }
0x4c: {  	_ =	shalt  }
0x4d: {  	_ =	shalt  }
0x4e: {  	_ =	shalt  }
0x4f: {  	_ =	shalt  }
0x50: {  	_ =	shalt  }
0x51: {  	_ =	shalt  }
0x52: {  	_ =	shalt  }
0x53: {  	_ =	shalt  }
0x54: {  	_ =	shalt  }
0x55: {  	_ =	shalt  }
0x56: {  	_ =	shalt  }
0x57: {  	_ =	shalt  }
0x58: {  	_ =	shalt  }
0x59: {  	_ =	shalt  }
0x5a: {  	_ =	shalt  }
0x5b: {  	_ =	shalt  }
0x5c: {  	_ =	shalt  }
0x5d: {  	_ =	shalt  }
0x5e: {  	_ =	shalt  }
0x5f: {  	_ =	shalt  }
0x60: {  	_ =	shalt  }
0x61: {  	_ =	shalt  }
0x62: {  	_ =	shalt  }
0x63: {  	_ =	shalt  }
0x64: {  	_ =	shalt  }
0x65: {  	_ =	shalt  }
0x66: {  	_ =	shalt  }
0x67: {  	_ =	shalt  }
0x68: {  	_ =	shalt  }
0x69: {  	_ =	shalt  }
0x6a: {  	_ =	shalt  }
0x6b: {  	_ =	shalt  }
0x6c: {  	_ =	shalt  }
0x6d: {  	_ =	shalt  }
0x6e: {  	_ =	shalt  }
0x6f: {  	_ =	shalt  }
0x70: {  	_ =	shalt  }
0x71: {  	_ =	shalt  }
0x72: {  	_ =	shalt  }
0x73: {  	_ =	shalt  }
0x74: {  	_ =	shalt  }
0x75: {  	_ =	shalt  }
0x76: {  	_ =	shalt  }
0x77: {  	_ =	shalt  }
0x78: {  	_ =	shalt  }
0x79: {  	_ =	shalt  }
0x7a: {  	_ =	shalt  }
0x7b: {  	_ =	shalt  }
0x7c: {  	_ =	shalt  }
0x7d: {  	_ =	shalt  }
0x7e: {  	_ =	shalt  }
0x7f: {  	_ =	shalt  }
0x80: {  	_ =	shalt  }
0x81: {  	_ =	shalt  }
0x82: {  	_ =	shalt  }
0x83: {  	_ =	shalt  }
0x84: {  	_ =	shalt  }
0x85: {  	_ =	shalt  }
0x86: {  	_ =	shalt  }
0x87: {  	_ =	shalt  }
.Lfunc_end0:
.L_simem_size_0:
called_computation.2_lowered:
.L_overlay_start_0:
0x88: {  	s2 =	sld [smem:$0x3FD9]  }
0x89: {  	s3 =	sld [smem:$0x3FFE];
	_ =	sdelay $0x1  }
0x8a: {  	s1 =	srdreg.scid  }
0x8b: {  	s0 =	sand.u32 $0x1, s1  }
0x8c: {  	s16 =	sshll.u32 s0, $0xA;
	s2 =	sadd.s32 s3, s2  }
0x8d: {  	s2 =	sadd.s32 s2, s16  }
0x8e: {  	[smem:$0x3FBF] =	sst s2  }
0x8f: {  	_ = 	snop  }
0x90: {  	(tm) =	ssettm $0x1  }
0x91: {  	s17 =	sld [smem:$0x3FFB];
	_ =	sdelay $0x3  }
0x92: {  	_ =	strace s17  }
0x93: {  	s2 =	sld [smem:$0x3FFC];
	_ =	sdelay $0x3  }
0x94: {  	_ =	strace s2  }
0x95: {  	s2 =	sld [smem:$0x3FFD];
	_ =	sdelay $0x3  }
0x96: {  	_ =	strace s2  }
0x97: {  	_ =	strace $0x8FFFFFFF  }
0x98: {  	s18 =	sld [smem:$0x3FDB];
	_ =	sdelay $0x1  }
0x99: {  	s19 =	simm.s32 $_scs_section_size  }
0x9a: {  	s4 =	simm.s32 $_size__tile_overlayer_lowered;
	s5 =	simm.s32 $_tile_overlayer_lowered  }
0x9b: {  	s22 =	simm.s32 $0x1BFF;
	s21 =	sshll.u32 s5, $0x1;
	s2 =	sadd.s32 s19, s18  }
0x9c: {  	s6 =	simm.s32 $0x0;
	s20 =	sshll.u32 s4, $0x1;
	s4 =	sadd.s32 s21, s2  }
0x9d: {  	[timem:s6], [sflag:s22] =	dma.local [hbm:s4], s20  }
0x9e: {  	_ =	swait.ge [sflag:s22], s20  }
0x9f: {  	s3 =	ssub.s32 $0x0, s20;
	[sflag:s22] =	ssyncset.done $0x0  }
0xa0: {  	[sflag:s22] =	ssyncadd.s32 s3;
	_ =	sdelay $0x1  }
0xa1: {  	s23 =	simm.s32 $0x1B8B  }
0xa2: {  	_ =	swait.ge [sflag:s23], $0x1  }
0xa3: {  	[sflag:s23] =	ssyncset.done $0x0  }
0xa4: {  	s25 =	simm.s32 $0x1B8E;
	s24 =	sld [smem:$0x3FFE];
	[sflag:s23] =	ssyncadd.s32 $0xFFFFFFFF  }
0xa5: {  	s26 =	simm.s32 $execute0_lowered;
	[smem:$0x3FD2] =	sst s25  }
0xa6: {  	s4 =	sshll.u32 s26, $0x1;
	_ =	strace $0x8000004C;
	[dreg:$0x1] =	wrdreg $0xFFFFFFFF  }
0xa7: {  	s28 =	simm.s32 $_size_execute0_lowered;
	s2 =	sadd.s32 s2, s4;
	[dreg:$0x0] =	wrdreg $0x0  }
0xa8: {  	s4 =	sshll.u32 s28, $0x1;
	[dreg:$0x2] =	wrdreg s2  }
0xa9: {  	[dreg:$0x3] =	wrdreg s4  }
0xaa: {  	[dreg:$0x4] =	wrdreg $0xC0  }
0xab: {  	_ =	task [dreg:s6], $0x5FFFF  }
0xac: {  	[dreg:$0x1] =	wrdreg $0xFFFFFFFF  }
0xad: {  	[dreg:$0x0] =	wrdreg $0x60  }
0xae: {  	[dreg:$0x2] =	wrdreg s24  }
0xaf: {  	[dreg:$0x3] =	wrdreg $0x9  }
0xb0: {  	_ =	task.clear_ibuf [dreg:s6], $0x4FFFF;
	_ =	strace $0x9000004C  }
0xb1: {  	s29 =	simm.s32 $0x9;
	_ =	strace $0x8000004E  }
0xb2: {  	_ =	swait.ge [sflag:s29], $0x1  }
0xb3: {  	[sflag:s29] =	ssyncadd.s32 $0xFFFFFFFF  }
0xb4: {  	_ =	strace $0x9000004E  }
0xb5: {  	_ =	sfence  }
0xb6: {  	s30 =	sld [smem:$0x0];
	_ =	sdelay $0x2  }
0xb7: {  	s31 =	sshll.u32 s1, $0xD;
	s1 =	sshrl.u32 s1, $0x2  }
0xb8: {  	s3 =	sand.u32 $0x4000, s31;
	s1 =	sadd.s32 s1, s30  }
0xb9: {  	s0 =	sor.u32 s3, s0;
	s1 =	sshll.u32 s1, $0x11  }
0xba: {  	s0 =	sor.u32 s1, s0  }
0xbb: {  	s0 =	sadd.s32 $0x8F2B, s0  }
0xbc: {  	[sflag:s0] =	ssyncadd.remote.s32 $0x1  }
0xbd: {  	_ =	sfence.sel $0xFFFF  }
0xbe: {  	[dreg:$0x0] =	wrdreg $0xFFFFFFFF;
	(pc) =	sbr.abs _section_cstart, $3  }
0xbf: {  	[dreg:$0x1] =	wrdreg $0xFFFFFFFF  }
0xc0: {  	_ =	task.clear_ibuf [dreg:s6], $0x2FFFF;
	_ =	strace $0x9FFFFFFF  }
0xc1: {  	(tm) =	ssettm $0x7FFFFFFF  }
tec
execute0_lowered:
.L_overlay_start_1:
0x0: {  	(tag) =	ssettag $0x1  }
0x1: {  	s6 =	rddreg [dreg:$0x0]  }
0x2: {  	s0 =	rddreg [dreg:$0x1]  }
0x3: {  	s1 =	simm.s32 $0x0;
	s3 =	srdreg.scid;
	s10 =	simm.s32 $0x80  }
0x4: {  	s11 =	simm.s32 $0x100;
	s12 =	simm.s32 $0x1;
	s13 =	simm.s32 $0x2100  }
0x5: {  	s14 =	simm.s32 $0x4100;
	s15 =	simm.s32 $0x0;
	[smem:$0x7FF] =	sst s1  }
0x6: {  	s2 =	sadd.s32 $0xE00, s6;
	s7 =	sand.u32 $0x1, s3;
	s4 =	sadd.s32 $0x52800, s6  }
0x7: {  	s5 =	sadd.s32 $0x4F600, s6;
	s3 =	stileid.u32;
	s8 =	ssub.s32 $0x2, s7  }
0x8: {  	s6 =	sadd.s32 $0x14800, s6;
	s7 =	sshll.u32 s7, $0x4;
	s9 =	sshrl.u32 s8, $0x1  }
0x9: {  	_ =	strace $0x8000004D;
	s7 =	sor.u32 s3, s7;
	s8 =	ssub.s32 s8, s9  }
0xa: {  	s7 =	smul.u32 $0xC80, s7;
	s9 =	simm.s32 $0x2;
	s8 =	smax.u32 s8, $0x1  }
.LBB2_1:
0xb: {  	s16 =	simm.s32 $0x0  }
.LBB2_2:
0xc: {  	s17 =	sshll.u32 s16, $0x7  }
0xd: {  	s17 =	sadd.s32 s7, s17  }
0xe: {  	s18 =	sshrl.u32 s17, $0x3  }
0xf: {  	s20 =	simm.s32 $0x0;
	s19 =	sadd.s32 s4, s18  }
0x10: {  	[tilespmem:s20], [sflag:$0x2] =	stream.linear.gather [hbm4b:s19+s20], $0x80, $0x38;
	[tilespmem:$0x4900] =	vst v63  }
0x11: {  	_ =	swait.ge [sflag:s9], $0x80  }
0x12: {  	[sflag:s9] =	ssyncset.done $0x0  }
0x13: {  	s18 =	sadd.s32 s5, s18;
	[sflag:s9] =	ssyncadd.s32 $0xFFFFFF80  }
0x14: {  	[tilespmem:s10], [sflag:$0x2] =	stream.linear.gather [hbm4b:s18+s20], $0x80, $0x38;
	[tilespmem:$0x4900] =	vst v63  }
0x15: {  	_ =	swait.ge [sflag:s9], $0x80  }
0x16: {  	[sflag:s9] =	ssyncset.done $0x0  }
0x17: {  	[sflag:s9] =	ssyncadd.s32 $0xFFFFFF80  }
0x18: {  	[tilespmem:s11], [sflag:$0x1] =	stream.indirect.gather [hbm4b:s2+s10], $0x40, s20, s10, $0xb8;
	[tilespmem:$0x4900] =	vst v63  }
0x19: {  	_ =	swait.ge [sflag:s12], $0x2000  }
0x1a: {  	[sflag:s12] =	ssyncset.done $0x0  }
0x1b: {  	[sflag:s12] =	ssyncadd.s32 $0xFFFFE000  }
0x1c: {  	[tilespmem:s13], [sflag:$0x1] =	stream.indirect.gather [hbm4b:s2+s10], $0x40, s10, s10, $0xb8;
	[tilespmem:$0x4900] =	vst v63  }
0x1d: {  	_ =	swait.ge [sflag:s12], $0x2000  }
0x1e: {  	[sflag:s12] =	ssyncset.done $0x0  }
0x1f: {  	s31 =	simm.s32 $0x0;
	[sflag:s12] =	ssyncadd.s32 $0xFFFFE000  }
0x20: {  	v0 =	vld [tilespmem:s31+$0x2100]  }
0x21: {  	v1 =	vld [tilespmem:s31+$0x100]  }
0x22: {  	v2 =	vld [tilespmem:s31+$0x110]  }
0x23: {  	v3 =	vld [tilespmem:s31+$0x2110]  }
0x24: {  	v4 =	vld [tilespmem:s31+$0x120]  }
0x25: {  	v5 =	vld [tilespmem:s31+$0x2120]  }
0x26: {  	v6 =	vld [tilespmem:s31+$0x130]  }
0x27: {  	v7 =	vld [tilespmem:s31+$0x2130]  }
0x28: {  	v0 =	vmul.f32 v0, v1;
	v1 =	vmul.f32 v3, v2;
	_ =	sdelay $0x1  }
0x29: {  	v0 =	vadd.f32 v1, v0;
	v1 =	vmul.f32 v5, v4;
	_ =	sdelay $0x1  }
0x2a: {  	v0 =	vadd.f32 v1, v0;
	v1 =	vmul.f32 v7, v6;
	_ =	sdelay $0x1  }
0x2b: {  	v0 =	vadd.f32 v1, v0  }
0x2c: {  	s18 =	simm.s32 $0x4100  }
0x2d: {  	s20 =	simm.s32 $0x40;
	[tilespmem:s18+$0x0] =	vst v0  }
0x2e: {  	v0 =	vld [tilespmem:s20+$0x2100]  }
0x2f: {  	v1 =	vld [tilespmem:s20+$0x100]  }
0x30: {  	s19 =	simm.s32 $0x200;
	v2 =	vld [tilespmem:s20+$0x110]  }
.LBB2_3:
0x31: {  	p0 =	sne.s32 s19, $0x7F00;
	v3 =	vld [tilespmem:s20+$0x2110]  }
0x32: {  	v4 =	vld [tilespmem:s20+$0x120]  }
0x33: {  	v5 =	vld [tilespmem:s20+$0x2120]  }
0x34: {  	v6 =	vld [tilespmem:s20+$0x130]  }
0x35: {  	v7 =	vld [tilespmem:s20+$0x2130]  }
0x36: {  	v0 =	vmul.f32 v0, v1;
	v1 =	vmul.f32 v3, v2;
	_ =	sdelay $0x1  }
0x37: {  	v0 =	vadd.f32 v1, v0;
	v1 =	vmul.f32 v5, v4;
	_ =	sdelay $0x1  }
0x38: {  	v0 =	vadd.f32 v1, v0;
	v1 =	vmul.f32 v7, v6;
	_ =	sdelay $0x1  }
0x39: {  	v0 =	vadd.f32 v1, v0  }
.Ltmp0:
0x3a: {  	s18 =	sadd.s32 $0x10, s18;
	(pc) =	sbr.rel @p0 .LBB2_3-.Ltmp0, $4  }
0x3b: {  	s20 =	sshra.s32 s19, $0x2;
	[tilespmem:s18+$0x0] =	vst v0  }
0x3c: {  	v0 =	vld [tilespmem:s20+$0x2100]  }
0x3d: {  	v1 =	vld [tilespmem:s20+$0x100]  }
0x3e: {  	s19 =	sadd.s32 $0x100, s19;
	v2 =	vld [tilespmem:s20+$0x110]  }
0x3f: {  	v3 =	vld [tilespmem:s20+$0x2110]  }
0x40: {  	v4 =	vld [tilespmem:s20+$0x120]  }
0x41: {  	v5 =	vld [tilespmem:s20+$0x2120]  }
0x42: {  	v6 =	vld [tilespmem:s20+$0x130]  }
0x43: {  	v7 =	vld [tilespmem:s20+$0x2130]  }
0x44: {  	v0 =	vmul.f32 v0, v1;
	v61 =	vmul.f32 v3, v2;
	_ =	sdelay $0x1  }
0x45: {  	v62 =	vmul.f32 v5, v4;
	v0 =	vadd.f32 v61, v0;
	_ =	sdelay $0x1  }
0x46: {  	v63 =	vmul.f32 v7, v6;
	v0 =	vadd.f32 v62, v0;
	_ =	sdelay $0x1  }
0x47: {  	s16 =	sadd.s32 $0x1, s16;
	v0 =	vadd.f32 v63, v0  }
0x48: {  	s18 =	sadd.s32 $0x10, s18;
	s17 =	sshll.u32 s17, $0x1;
	p0 =	sne.s32 s16, $0x19  }
.Ltmp1:
0x49: {  	s17 =	sadd.s32 s6, s17;
	[tilespmem:s18+$0x0] =	vst v0;
	(pc) =	sbr.rel @p0 .LBB2_2-.Ltmp1, $4  }
0x4a: {  	[hbm4b:s17+s1] =	stream.linear.scatter [tilespmem:s14], [sflag:$0x2], $0x800, $0x38;
	[tilespmem:$0x4900] =	vst v63  }
0x4b: {  	_ =	swait.ge [sflag:s9], $0x800  }
0x4c: {  	[sflag:s9] =	ssyncset.done $0x0  }
0x4d: {  	[sflag:s9] =	ssyncadd.s32 $0xFFFFF800  }
0x4e: {  	s15 =	sadd.s32 $0x1, s15  }
0x4f: {  	p0 =	sne.s32 s15, s8  }
.Ltmp2:
0x50: {  	_ = 	snop;
	(pc) =	sbr.rel @p0 .LBB2_1-.Ltmp2, $1  }
0x51: {  	_ =	sdelay $0x3  }
0x52: {  	_ =	sfence.sel $0x180000  }
0x53: {  	[bflag:$0x0] =	sbarrier.arrive $0xFFFF  }
0x54: {  	p0 =	sne.s32 s3, $0x0;
	_ =	strace $0x9000004D  }
0x55: {  	s0 =	sadd.s32 @!p0 $0x100000, s0;
	[bflag:$0x2] =	sbarrier.arrive $0xFFFF  }
0x56: {  	[sflag:s0] =	ssyncadd.tile.s32 @!p0 $0x1;
	_ =	shalt  }
.Lfunc_end2:
_tile_overlayer_lowered:
.L_overlay_start_2:
0x57: {  	(tag) =	ssettag $0x2  }
0x58: {  	s0 =	rddreg [dreg:$0x0];
	s2 =	stileid.u32  }
0x59: {  	s1 =	rddreg [dreg:$0x1];
	p0 =	sne.s32 s2, $0x0  }
0x5a: {  	s3 =	rddreg [dreg:$0x2];
	[bflag:$0x3] =	sbarrier.arrive $0xFFFF;
	s2 =	simm.s32 @!p0 $0x1C02  }
0x5b: {  	[timem:s3], [sflag:s2] =	dma.local @!p0 [hbm:s0], s1  }
0x5c: {  	s0 =	simm.s32 @!p0 $0x2  }
0x5d: {  	_ =	swait.ge @!p0 [sflag:s0], s1  }
0x5e: {  	s1 =	ssub.s32 @!p0 $0x0, s1;
	[sflag:s0] =	ssyncset.done @!p0 $0x0  }
0x5f: {  	[sflag:s0] =	ssyncadd.s32 @!p0 s1  }
0x60: {  	[bflag:$0x3] =	sbarrier.arrive $0xFFFF  }
0x61: {  	_ =	shalt  }

// kernel: sc_segsum_d128.3.cloned.1.call-start
scs
__scs_entry_jumppad:
0x0: {  	(pc) =	sbr.rel $0x88, $3  }
0x1: {  	(tag) =	ssettag $0x0;
	lr =	simm.s32 $0x1  }
0x2: {  	[smem:$0x3F98] =	sst lr;
	_ =	strace $0xD0000000  }
0x3: {  	_ = 	snop  }
0x4: {  	_ = 	snop  }
0x5: {  	_ = 	snop  }
0x6: {  	_ = 	snop  }
0x7: {  	_ = 	snop  }
__scs_overlays_trampoline_lowered:
0x8: {  	[smem:$0x3FA7] =	sst s0  }
0x9: {  	[smem:$0x3FA8] =	sst s1  }
0xa: {  	[smem:$0x3FA9] =	sst s2  }
0xb: {  	[smem:$0x3FAA] =	sst s3  }
0xc: {  	[smem:$0x3FAB] =	sst s4  }
0xd: {  	[smem:$0x3FAC] =	sst s5  }
0xe: {  	[smem:$0x3FAD] =	sst s6  }
0xf: {  	[smem:$0x3FAE] =	sst s7  }
0x10: {  	[smem:$0x3FAF] =	sst s8  }
0x11: {  	[smem:$0x3FB0] =	sst s9;
	s0 =	simm.s32 @!p0 $0x0  }
0x12: {  	s1 =	sld [smem:$0x3F96];
	s0 =	simm.s32 @p0 $0x1  }
0x13: {  	[smem:$0x3FB1] =	sst s0;
	s0 =	simm.s32 @!p1 $0x0  }
0x14: {  	s2 =	sld [smem:$0x3F95];
	s0 =	simm.s32 @p1 $0x1  }
0x15: {  	[smem:$0x3FB2] =	sst s0;
	s0 =	simm.s32 @!p2 $0x0  }
0x16: {  	s3 =	sld [smem:$0x3FDB];
	s0 =	simm.s32 @p2 $0x1  }
0x17: {  	s4 =	simm.s32 $0x1BF5;
	[smem:$0x3FB4] =	sst s0  }
0x18: {  	s0 =	sld [smem:$0x3F97];
	_ =	swait.ge [sflag:s4], $0x0  }
0x19: {  	s7 =	sld [smem:$0x3F98]  }
0x1a: {  	s8 =	sadd.s32 $0xFFFFE003, lr  }
0x1b: {  	s9 =	sadd.s32 $0xFFFFFEF7, lr;
	s5 =	simm.s32 $0xFFFFFFFF;
	p2 =	slt.u32 s8, $0xFFFFF086  }
0x1c: {  	p1 =	slt.u32 s9, $0xF7A;
	s5 =	simm.s32 @!p2 $0x0  }
0x1d: {  	s5 =	simm.s32 @p1 $0x1;
	p0 =	seq.s32 s7, s2  }
0x1e: {  	s7 =	smul.u32 @!p0 $0xF7A, s2;
	p2 =	seq.s32 @!p0 s5, $0x0  }
0x1f: {  	s9 =	smul.u32 $0xF7A, s1;
	s8 =	simm.s32 @!p0 $0x1BF5;
	p2 =	por !p2, p0  }
0x20: {  	[sflag:s8] =	ssyncset.s32 @!p0 $0xFFFFF086;
	s6 =	sadd.s32 @!p0 s3, s7;
	s7 =	simm.s32 @!p0 $0x108  }
0x21: {  	s3 =	sadd.s32 s3, s9;
	s6 =	sadd.s32 @!p0 $0x88, s6;
	s7 =	simm.s32 @p2 $0x1082  }
0x22: {  	[simem:s7], [sflag:s8] =	dma.local @!p0 [hbm:s6], $0xF7A  }
0x23: {  	s9 =	sor.u32 $0xD0000000, s2;
	s6 =	simm.s32 $0x108;
	_ =	swait.ge @!p0 [sflag:s8], $0x0  }
0x24: {  	s3 =	sadd.s32 $0x88, s3;
	s6 =	simm.s32 @!p1 $0x1082;
	[sflag:s4] =	ssyncset.s32 $0xFFFFF086  }
0x25: {  	[simem:s6], [sflag:s4] =	dma.local [hbm:s3], $0xF7A  }
0x26: {  	[smem:$0x3F98] =	sst s1;
	(tag) =	ssettag s2;
	_ =	strace s9  }
0x27: {  	s1 =	sld [smem:$0x3FA8]  }
0x28: {  	s2 =	sld [smem:$0x3FA9]  }
0x29: {  	s4 =	sld [smem:$0x3FAB]  }
0x2a: {  	p0 =	seq.s32 s5, $0x0;
	s5 =	sld [smem:$0x3FAC]  }
0x2b: {  	s6 =	sld [smem:$0x3FAD]  }
0x2c: {  	s7 =	sld [smem:$0x3FAE]  }
0x2d: {  	s3 =	simm.s32 $0x108;
	s8 =	sld [smem:$0x3FAF]  }
0x2e: {  	s3 =	simm.s32 @!p0 $0x1082;
	s9 =	sld [smem:$0x3FB0]  }
0x2f: {  	lr =	sadd.s32 s0, s3;
	s0 =	sld [smem:$0x3FA7]  }
0x30: {  	s3 =	sld [smem:$0x3FAA]  }
0x31: {  	[smem:$0x3FB3] =	sst s10  }
0x32: {  	s10 =	sld [smem:$0x3FB1];
	_ =	sdelay $0x3  }
0x33: {  	p0 =	seq.s32 s10, $0x1;
	s10 =	sld [smem:$0x3FB3];
	_ =	sdelay $0x3  }
0x34: {  	[smem:$0x3FB3] =	sst s10  }
0x35: {  	s10 =	sld [smem:$0x3FB2];
	_ =	sdelay $0x3  }
0x36: {  	p1 =	seq.s32 s10, $0x1;
	s10 =	sld [smem:$0x3FB3];
	_ =	sdelay $0x3  }
0x37: {  	[smem:$0x3FB3] =	sst s10  }
0x38: {  	s10 =	sld [smem:$0x3FB4]  }
0x39: {  	_ = 	snop;
	(pc) =	sbr.ind lr, $3  }
0x3a: {  	_ = 	snop  }
0x3b: {  	_ = 	snop  }
0x3c: {  	p2 =	seq.s32 s10, $0x1;
	s10 =	sld [smem:$0x3FB3]  }
0x3d: {  	_ =	shalt  }
0x3e: {  	_ =	shalt  }
0x3f: {  	_ =	shalt  }
0x40: {  	_ =	shalt  }
0x41: {  	_ =	shalt  }
0x42: {  	_ =	shalt  }
0x43: {  	_ =	shalt  }
0x44: {  	_ =	shalt  }
0x45: {  	_ =	shalt  }
0x46: {  	_ =	shalt  }
0x47: {  	_ =	shalt  }
0x48: {  	_ =	shalt  }
0x49: {  	_ =	shalt  }
0x4a: {  	_ =	shalt  }
0x4b: {  	_ =	shalt  }
0x4c: {  	_ =	shalt  }
0x4d: {  	_ =	shalt  }
0x4e: {  	_ =	shalt  }
0x4f: {  	_ =	shalt  }
0x50: {  	_ =	shalt  }
0x51: {  	_ =	shalt  }
0x52: {  	_ =	shalt  }
0x53: {  	_ =	shalt  }
0x54: {  	_ =	shalt  }
0x55: {  	_ =	shalt  }
0x56: {  	_ =	shalt  }
0x57: {  	_ =	shalt  }
0x58: {  	_ =	shalt  }
0x59: {  	_ =	shalt  }
0x5a: {  	_ =	shalt  }
0x5b: {  	_ =	shalt  }
0x5c: {  	_ =	shalt  }
0x5d: {  	_ =	shalt  }
0x5e: {  	_ =	shalt  }
0x5f: {  	_ =	shalt  }
0x60: {  	_ =	shalt  }
0x61: {  	_ =	shalt  }
0x62: {  	_ =	shalt  }
0x63: {  	_ =	shalt  }
0x64: {  	_ =	shalt  }
0x65: {  	_ =	shalt  }
0x66: {  	_ =	shalt  }
0x67: {  	_ =	shalt  }
0x68: {  	_ =	shalt  }
0x69: {  	_ =	shalt  }
0x6a: {  	_ =	shalt  }
0x6b: {  	_ =	shalt  }
0x6c: {  	_ =	shalt  }
0x6d: {  	_ =	shalt  }
0x6e: {  	_ =	shalt  }
0x6f: {  	_ =	shalt  }
0x70: {  	_ =	shalt  }
0x71: {  	_ =	shalt  }
0x72: {  	_ =	shalt  }
0x73: {  	_ =	shalt  }
0x74: {  	_ =	shalt  }
0x75: {  	_ =	shalt  }
0x76: {  	_ =	shalt  }
0x77: {  	_ =	shalt  }
0x78: {  	_ =	shalt  }
0x79: {  	_ =	shalt  }
0x7a: {  	_ =	shalt  }
0x7b: {  	_ =	shalt  }
0x7c: {  	_ =	shalt  }
0x7d: {  	_ =	shalt  }
0x7e: {  	_ =	shalt  }
0x7f: {  	_ =	shalt  }
0x80: {  	_ =	shalt  }
0x81: {  	_ =	shalt  }
0x82: {  	_ =	shalt  }
0x83: {  	_ =	shalt  }
0x84: {  	_ =	shalt  }
0x85: {  	_ =	shalt  }
0x86: {  	_ =	shalt  }
0x87: {  	_ =	shalt  }
.Lfunc_end0:
.L_simem_size_0:
called_computation_lowered:
.L_overlay_start_0:
0x88: {  	s2 =	sld [smem:$0x3FD9]  }
0x89: {  	s3 =	sld [smem:$0x3FFE];
	_ =	sdelay $0x1  }
0x8a: {  	s1 =	srdreg.scid  }
0x8b: {  	s0 =	sand.u32 $0x1, s1  }
0x8c: {  	s17 =	sshll.u32 s0, $0xA;
	s2 =	sadd.s32 s3, s2  }
0x8d: {  	s2 =	sadd.s32 s2, s17  }
0x8e: {  	[smem:$0x3FBF] =	sst s2  }
0x8f: {  	_ = 	snop  }
0x90: {  	s2 =	sld [smem:$0x3FD0];
	(tm) =	ssettm $0x1  }
0x91: {  	s18 =	sld [smem:$0x3FFB];
	_ =	sdelay $0x3  }
0x92: {  	_ =	strace s18  }
0x93: {  	s3 =	sld [smem:$0x3FFC];
	_ =	sdelay $0x3  }
0x94: {  	_ =	strace s3  }
0x95: {  	s3 =	sld [smem:$0x3FFD];
	_ =	sdelay $0x3  }
0x96: {  	_ =	strace s3  }
0x97: {  	_ =	strace $0x8FFFFFFF  }
0x98: {  	s19 =	sld [smem:$0x3FDB];
	_ =	sdelay $0x1  }
0x99: {  	s4 =	simm.s32 $_scs_section_size  }
0x9a: {  	s5 =	simm.s32 $_size__tile_overlayer_lowered;
	s6 =	simm.s32 $_tile_overlayer_lowered  }
0x9b: {  	s22 =	simm.s32 $0x1BFF;
	s21 =	sshll.u32 s6, $0x1;
	s3 =	sadd.s32 s4, s19  }
0x9c: {  	s7 =	simm.s32 $0x0;
	s20 =	sshll.u32 s5, $0x1;
	s5 =	sadd.s32 s21, s3  }
0x9d: {  	[timem:s7], [sflag:s22] =	dma.local [hbm:s5], s20  }
0x9e: {  	_ =	swait.ge [sflag:s22], s20  }
0x9f: {  	s4 =	ssub.s32 $0x0, s20;
	[sflag:s22] =	ssyncset.done $0x0  }
0xa0: {  	[sflag:s22] =	ssyncadd.s32 s4;
	_ =	sdelay $0x1  }
0xa1: {  	s23 =	simm.s32 $0x1B8B  }
0xa2: {  	_ =	swait.ge [sflag:s23], $0x1  }
0xa3: {  	[sflag:s23] =	ssyncset.done $0x0  }
0xa4: {  	s25 =	simm.s32 $0x1B8E;
	s24 =	sld [smem:$0x3FFE];
	[sflag:s23] =	ssyncadd.s32 $0xFFFFFFFF  }
0xa5: {  	s26 =	simm.s32 $execute0_lowered;
	[smem:$0x3FD2] =	sst s25  }
0xa6: {  	s5 =	sshll.u32 s26, $0x1;
	_ =	strace $0x80000046;
	[dreg:$0x1] =	wrdreg $0xFFFFFFFF  }
0xa7: {  	s28 =	simm.s32 $_size_execute0_lowered;
	s3 =	sadd.s32 s3, s5;
	[dreg:$0x0] =	wrdreg $0x0  }
0xa8: {  	s5 =	sshll.u32 s28, $0x1;
	[dreg:$0x2] =	wrdreg s3  }
0xa9: {  	[dreg:$0x3] =	wrdreg s5  }
0xaa: {  	[dreg:$0x4] =	wrdreg $0xC0  }
0xab: {  	_ =	task [dreg:s7], $0x5FFFF  }
0xac: {  	[dreg:$0x1] =	wrdreg $0xFFFFFFFF  }
0xad: {  	[dreg:$0x0] =	wrdreg $0x60  }
0xae: {  	[dreg:$0x2] =	wrdreg s24  }
0xaf: {  	[dreg:$0x3] =	wrdreg s2  }
0xb0: {  	[dreg:$0x4] =	wrdreg $0x0  }
0xb1: {  	[dreg:$0x5] =	wrdreg $0x19FA00  }
0xb2: {  	[dreg:$0x6] =	wrdreg $0x9  }
0xb3: {  	_ =	task.clear_ibuf [dreg:s7], $0x7FFFF;
	_ =	strace $0x90000046  }
0xb4: {  	s29 =	simm.s32 $0x9;
	_ =	strace $0x80000048  }
0xb5: {  	_ =	swait.ge [sflag:s29], $0x1  }
0xb6: {  	[sflag:s29] =	ssyncadd.s32 $0xFFFFFFFF  }
0xb7: {  	_ =	strace $0x90000048  }
0xb8: {  	_ =	sfence  }
0xb9: {  	s30 =	sld [smem:$0x0];
	_ =	sdelay $0x2  }
0xba: {  	s31 =	sshll.u32 s1, $0xD;
	s1 =	sshrl.u32 s1, $0x2  }
0xbb: {  	s3 =	sand.u32 $0x4000, s31;
	s1 =	sadd.s32 s1, s30  }
0xbc: {  	s0 =	sor.u32 s3, s0;
	s1 =	sshll.u32 s1, $0x11  }
0xbd: {  	s0 =	sor.u32 s1, s0  }
0xbe: {  	s0 =	sadd.s32 $0x8F2B, s0  }
0xbf: {  	[sflag:s0] =	ssyncadd.remote.s32 $0x1  }
0xc0: {  	_ =	sfence.sel $0xFFFF  }
0xc1: {  	[dreg:$0x0] =	wrdreg $0xFFFFFFFF;
	(pc) =	sbr.abs _section_cstart, $3  }
0xc2: {  	[dreg:$0x1] =	wrdreg $0xFFFFFFFF  }
0xc3: {  	_ =	task.clear_ibuf [dreg:s7], $0x2FFFF;
	_ =	strace $0x9FFFFFFF  }
0xc4: {  	(tm) =	ssettm $0x7FFFFFFF  }
0xc5: {  	_ =	shalt  }
tec
execute0_lowered:
.L_overlay_start_1:
0x0: {  	(tag) =	ssettag $0x1  }
0x1: {  	s1 =	rddreg [dreg:$0x0]  }
0x2: {  	s16 =	rddreg [dreg:$0x1];
	s0 =	srdreg.scid  }
0x3: {  	s2 =	rddreg [dreg:$0x2];
	s23 =	stileid.u32  }
0x4: {  	s3 =	rddreg [dreg:$0x3];
	s4 =	simm.s32 $0x0;
	s6 =	smul.u32 $0x2710, s23  }
0x5: {  	s21 =	simm.s32 $0x2;
	s22 =	simm.s32 $0x17700;
	s17 =	smul.u32 $0x1F400, s23  }
0x6: {  	s28 =	simm.s32 $0x1;
	s29 =	simm.s32 $0x1A4A0;
	s8 =	smul.u32 $0x7D000, s23  }
0x7: {  	s10 =	sand.u32 $0x1, s0;
	[smem:$0x7FF] =	sst s4;
	s15 =	smul.u32 $0x280, s23  }
0x8: {  	p0 =	sgt.u32 s23, $0x9;
	s23 =	simm.s32 $0x17750;
	s5 =	smul.u32 $0x27100, s10  }
0x9: {  	s30 =	simm.s32 $0x0;
	s7 =	smul.u32 $0x138800, s10;
	_ =	strace $0x80000047  }
0xa: {  	s25 =	ssub.s32 $0x2, s10;
	s20 =	smul.u32 $0x2800, s10;
	s8 =	sshrl.u32 s8, $0x2  }
0xb: {  	s9 =	sshrl.u32 s25, $0x1;
	s14 =	sadd.s32 s15, s3;
	s5 =	sadd.s32 s6, s5  }
0xc: {  	s24 =	sadd.s32 s17, s7;
	s18 =	ssub.s32 s25, s9;
	s20 =	sadd.s32 s15, s20  }
0xd: {  	s6 =	sshrl.u32 s5, $0x3;
	s5 =	sadd.s32 $0x14A00, s1;
	s31 =	sshrl.u32 s20, $0x3  }
0xe: {  	s19 =	sadd.s32 s6, s1;
	s6 =	sshrl.u32 s24, $0x3;
	s16 =	sadd.s32 s16, s31  }
0xf: {  	s24 =	simm.s32 $0x50;
	s1 =	sadd.s32 s6, s1;
	s6 =	sadd.s32 s8, s2  }
0x10: {  	s26 =	sadd.s32 $0x3E80, s6;
	s8 =	sadd.s32 $0x7D00, s6;
	s9 =	sadd.s32 $0xBB80, s6  }
0x11: {  	s10 =	sadd.s32 $0xFA00, s6;
	s11 =	sadd.s32 $0x13880, s6;
	s12 =	sadd.s32 $0x17700, s6  }
0x12: {  	s13 =	sadd.s32 $0x1B580, s6;
	s15 =	sadd.s32 $0x3BC00, s1;
	s1 =	sadd.s32 s17, s2  }
0x13: {  	s17 =	smax.u32 s18, $0x1;
	s18 =	sadd.s32 $0xE00, s19;
	s19 =	sadd.s32 $0xAC00, s19  }
0x14: {  	v0 =	vimm.f32 $0.0e+00;
	v1 =	vimm.f32 $1.000000000e+00;
	[dreg:$0x5] =	wrdreg s26;
	s25 =	sshrl.u32 @!p0 s1, $0x3;
	s26 =	simm.s32 $0x177A0  }
.LBB2_1:
0x15: {  	s31 =	simm.s32 $0x0;
	s1 =	simm.s32 $0x200  }
.LBB2_2:
0x16: {  	p1 =	sne.s32 s1, $0xF800;
	[tilespmem:s31+$0x138F0] =	vst v0  }
0x17: {  	[tilespmem:s31+$0x13880] =	vst v0  }
0x18: {  	[tilespmem:s31+$0x13890] =	vst v0  }
.Ltmp0:
0x19: {  	[tilespmem:s31+$0x138A0] =	vst v0;
	(pc) =	sbr.rel @p1 .LBB2_2-.Ltmp0, $4  }
0x1a: {  	[tilespmem:s31+$0x138B0] =	vst v0  }
0x1b: {  	[tilespmem:s31+$0x138C0] =	vst v0  }
0x1c: {  	[tilespmem:s31+$0x138D0] =	vst v0  }
0x1d: {  	[tilespmem:s31+$0x138E0] =	vst v0;
	s31 =	sshra.s32 s1, $0x2;
	s1 =	sadd.s32 $0x200, s1  }
0x1e: {  	[tilespmem:s31+$0x138F0] =	vst v0  }
0x1f: {  	[tilespmem:s31+$0x13880] =	vst v0  }
0x20: {  	[tilespmem:s31+$0x13890] =	vst v0  }
0x21: {  	[tilespmem:s31+$0x138A0] =	vst v0  }
0x22: {  	[tilespmem:s31+$0x138B0] =	vst v0  }
0x23: {  	[tilespmem:s31+$0x138C0] =	vst v0  }
0x24: {  	[tilespmem:s31+$0x138D0] =	vst v0  }
0x25: {  	[tilespmem:s31+$0x138E0] =	vst v0  }
0x26: {  	[tilespmem:$0x1A220] =	vst v0  }
0x27: {  	[tilespmem:$0x1A230] =	vst v0  }
0x28: {  	[tilespmem:$0x1A240] =	vst v0  }
0x29: {  	[tilespmem:$0x1A250] =	vst v0  }
0x2a: {  	[tilespmem:$0x1A260] =	vst v0  }
0x2b: {  	[tilespmem:$0x1A270] =	vst v0  }
0x2c: {  	[tilespmem:$0x1A280] =	vst v0  }
0x2d: {  	[tilespmem:$0x1A290] =	vst v0  }
0x2e: {  	[tilespmem:$0x1A2A0] =	vst v0  }
0x2f: {  	[tilespmem:$0x1A2B0] =	vst v0  }
0x30: {  	[tilespmem:$0x1A2C0] =	vst v0  }
0x31: {  	[tilespmem:$0x1A2D0] =	vst v0  }
0x32: {  	[tilespmem:$0x1A2E0] =	vst v0  }
0x33: {  	[tilespmem:$0x1A2F0] =	vst v0  }
0x34: {  	[tilespmem:$0x1A300] =	vst v0  }
0x35: {  	[tilespmem:$0x1A310] =	vst v0  }
0x36: {  	[tilespmem:$0x1A320] =	vst v0  }
0x37: {  	[tilespmem:$0x1A330] =	vst v0  }
0x38: {  	[tilespmem:$0x1A340] =	vst v0  }
0x39: {  	[tilespmem:$0x1A350] =	vst v0  }
0x3a: {  	[tilespmem:$0x1A360] =	vst v0  }
0x3b: {  	[tilespmem:$0x1A370] =	vst v0  }
0x3c: {  	[tilespmem:$0x1A380] =	vst v0  }
0x3d: {  	[tilespmem:$0x1A390] =	vst v0  }
0x3e: {  	[tilespmem:$0x1A3A0] =	vst v0  }
0x3f: {  	[tilespmem:$0x1A3B0] =	vst v0  }
0x40: {  	[tilespmem:$0x1A3C0] =	vst v0  }
0x41: {  	[tilespmem:$0x1A3D0] =	vst v0  }
0x42: {  	[tilespmem:$0x1A3E0] =	vst v0  }
0x43: {  	[tilespmem:$0x1A3F0] =	vst v0  }
0x44: {  	[tilespmem:$0x1A400] =	vst v0  }
0x45: {  	[tilespmem:$0x1A410] =	vst v0  }
0x46: {  	[tilespmem:$0x1A420] =	vst v0  }
0x47: {  	[tilespmem:$0x1A430] =	vst v0  }
0x48: {  	[tilespmem:$0x1A440] =	vst v0  }
0x49: {  	[tilespmem:$0x1A450] =	vst v0  }
0x4a: {  	[tilespmem:$0x1A460] =	vst v0  }
0x4b: {  	[tilespmem:$0x1A470] =	vst v0  }
0x4c: {  	[tilespmem:$0x1A480] =	vst v0  }
0x4d: {  	[tilespmem:$0x1A490] =	vst v0  }
0x4e: {  	[tilespmem:$0x1A4A0] =	vst v1  }
0x4f: {  	[tilespmem:$0x1A4B0] =	vst v1  }
0x50: {  	[tilespmem:$0x1A4C0] =	vst v1  }
0x51: {  	[tilespmem:$0x1A4D0] =	vst v1  }
0x52: {  	s1 =	simm.s32 @!p0 $0x13880;
	s31 =	simm.s32 @!p0 $0x2;
	[tilespmem:$0x1A4E0] =	vst v1  }
0x53: {  	[spmem:s6] =	stream.linear.scatter @!p0 [tilespmem:s1], [sflag:$0x2], $0x3E80, $0x38;
	[tilespmem:$0x1A4F0] =	vst v63  }
0x54: {  	_ =	swait.ge @!p0 [sflag:s31], $0x3E80  }
0x55: {  	[sflag:s31] =	ssyncset.done @!p0 $0x0  }
0x56: {  	s0 =	rddreg [dreg:$0x5];
	[sflag:s31] =	ssyncadd.s32 @!p0 $0xFFFFC180  }
0x57: {  	[spmem:s0] =	stream.linear.scatter @!p0 [tilespmem:s1], [sflag:$0x2], $0x3E80, $0x38;
	[tilespmem:$0x1A4F0] =	vst v63  }
0x58: {  	_ =	swait.ge @!p0 [sflag:s31], $0x3E80  }
0x59: {  	[sflag:s31] =	ssyncset.done @!p0 $0x0  }
0x5a: {  	[sflag:s31] =	ssyncadd.s32 @!p0 $0xFFFFC180  }
0x5b: {  	[spmem:s8] =	stream.linear.scatter @!p0 [tilespmem:s1], [sflag:$0x2], $0x3E80, $0x38;
	[tilespmem:$0x1A4F0] =	vst v63  }
0x5c: {  	_ =	swait.ge @!p0 [sflag:s31], $0x3E80  }
0x5d: {  	[sflag:s31] =	ssyncset.done @!p0 $0x0  }
0x5e: {  	[sflag:s31] =	ssyncadd.s32 @!p0 $0xFFFFC180  }
0x5f: {  	[spmem:s9] =	stream.linear.scatter @!p0 [tilespmem:s1], [sflag:$0x2], $0x3E80, $0x38;
	[tilespmem:$0x1A4F0] =	vst v63  }
0x60: {  	_ =	swait.ge @!p0 [sflag:s31], $0x3E80  }
0x61: {  	[sflag:s31] =	ssyncset.done @!p0 $0x0  }
0x62: {  	[sflag:s31] =	ssyncadd.s32 @!p0 $0xFFFFC180  }
0x63: {  	[spmem:s10] =	stream.linear.scatter @!p0 [tilespmem:s1], [sflag:$0x2], $0x3E80, $0x38;
	[tilespmem:$0x1A4F0] =	vst v63  }
0x64: {  	_ =	swait.ge @!p0 [sflag:s31], $0x3E80  }
0x65: {  	[sflag:s31] =	ssyncset.done @!p0 $0x0  }
0x66: {  	[sflag:s31] =	ssyncadd.s32 @!p0 $0xFFFFC180  }
0x67: {  	[spmem:s11] =	stream.linear.scatter @!p0 [tilespmem:s1], [sflag:$0x2], $0x3E80, $0x38;
	[tilespmem:$0x1A4F0] =	vst v63  }
0x68: {  	_ =	swait.ge @!p0 [sflag:s31], $0x3E80  }
0x69: {  	[sflag:s31] =	ssyncset.done @!p0 $0x0  }
0x6a: {  	[sflag:s31] =	ssyncadd.s32 @!p0 $0xFFFFC180  }
0x6b: {  	[spmem:s12] =	stream.linear.scatter @!p0 [tilespmem:s1], [sflag:$0x2], $0x3E80, $0x38;
	[tilespmem:$0x1A4F0] =	vst v63  }
0x6c: {  	_ =	swait.ge @!p0 [sflag:s31], $0x3E80  }
0x6d: {  	[sflag:s31] =	ssyncset.done @!p0 $0x0  }
0x6e: {  	[sflag:s31] =	ssyncadd.s32 @!p0 $0xFFFFC180  }
0x6f: {  	[spmem:s13] =	stream.linear.scatter @!p0 [tilespmem:s1], [sflag:$0x2], $0x3E80, $0x38;
	[tilespmem:$0x1A4F0] =	vst v63  }
0x70: {  	_ =	swait.ge @!p0 [sflag:s31], $0x3E80  }
0x71: {  	[sflag:s31] =	ssyncset.done @!p0 $0x0  }
0x72: {  	s1 =	simm.s32 $0x1A220;
	[sflag:s31] =	ssyncadd.s32 @!p0 $0xFFFFC180  }
0x73: {  	[spmem:s14] =	stream.linear.scatter [tilespmem:s1], [sflag:$0x2], $0x280, $0x38;
	[tilespmem:$0x1A4F0] =	vst v63  }
0x74: {  	_ =	swait.ge [sflag:s21], $0x280  }
0x75: {  	[sflag:s21] =	ssyncset.done $0x0  }
0x76: {  	[sflag:s21] =	ssyncadd.s32 $0xFFFFFD80  }
0x77: {  	s7 =	sadd.s32 $0x0, s19;
	[bflag:$0x0] =	sbarrier.arrive $0xFFFF  }
0x78: {  	[tilespmem:s22], [sflag:$0x2] =	stream.linear.gather [hbm4b:s7+s4], $0x50, $0x38;
	[tilespmem:$0x1A4F0] =	vst v63  }
0x79: {  	_ =	swait.ge [sflag:s21], $0x50  }
0x7a: {  	[sflag:s21] =	ssyncset.done $0x0  }
0x7b: {  	s20 =	sadd.s32 $0x0, s18;
	[sflag:s21] =	ssyncadd.s32 $0xFFFFFFB0  }
0x7c: {  	[tilespmem:s23], [sflag:$0x2] =	stream.linear.gather [hbm4b:s20+s4], $0x50, $0x38;
	[tilespmem:$0x1A4F0] =	vst v63  }
0x7d: {  	_ =	swait.ge [sflag:s21], $0x50  }
0x7e: {  	[sflag:s21] =	ssyncset.done $0x0  }
0x7f: {  	[sflag:s21] =	ssyncadd.s32 $0xFFFFFFB0  }
0x80: {  	[tilespmem:s26], [sflag:$0x1] =	stream.indirect.gather [hbm4b:s5+s24], $0x80, s22, s24, $0xb8;
	[tilespmem:$0x1A4F0] =	vst v63  }
0x81: {  	_ =	swait.ge [sflag:s28], $0x2800  }
0x82: {  	[sflag:s28] =	ssyncset.done $0x0  }
0x83: {  	[sflag:s28] =	ssyncadd.s32 $0xFFFFD800  }
0x84: {  	[spmem:s2] =	stream.indirect.scatter.add.f32 [tilespmem:s26], [sflag:$0x2], $0x80, s23, s24, $0xb8;
	[tilespmem:$0x1A4F0] =	vst v63  }
0x85: {  	_ =	swait.ge [sflag:s21], $0x2800  }
0x86: {  	[sflag:s21] =	ssyncset.done $0x0  }
0x87: {  	[sflag:s21] =	ssyncadd.s32 $0xFFFFD800  }
0x88: {  	[spmem:s3] =	stream.indirect.scatter.add.f32 [tilespmem:s29], [sflag:$0x2], $0x1, s23, s24, $0xb8;
	[tilespmem:$0x1A4F0] =	vst v63  }
0x89: {  	_ =	swait.ge [sflag:s21], $0x50  }
0x8a: {  	s31 =	simm.s32 $0xA;
	s1 =	simm.s32 $0x14;
	[sflag:s21] =	ssyncset.done $0x0  }
.LBB2_4:
0x8b: {  	s20 =	sadd.s32 s31, s19  }
0x8c: {  	[sflag:s21] =	ssyncadd.s32 $0xFFFFFFB0;
	s0 =	smov.u32 s1;
	s7 =	sadd.s32 $0xA, s1  }
0x8d: {  	[tilespmem:s22], [sflag:$0x2] =	stream.linear.gather [hbm4b:s20+s4], $0x50, $0x38;
	[tilespmem:$0x1A4F0] =	vst v63  }
0x8e: {  	p1 =	sne.s32 s1, $0x4D8;
	_ =	swait.ge [sflag:s21], $0x50  }
0x8f: {  	[sflag:s21] =	ssyncset.done $0x0  }
0x90: {  	s1 =	sadd.s32 s31, s18;
	s31 =	smov.u32 s0;
	[sflag:s21] =	ssyncadd.s32 $0xFFFFFFB0  }
0x91: {  	[tilespmem:s23], [sflag:$0x2] =	stream.linear.gather [hbm4b:s1+s4], $0x50, $0x38;
	[tilespmem:$0x1A4F0] =	vst v63  }
0x92: {  	_ =	swait.ge [sflag:s21], $0x50  }
0x93: {  	[sflag:s21] =	ssyncset.done $0x0  }
0x94: {  	[sflag:s21] =	ssyncadd.s32 $0xFFFFFFB0  }
0x95: {  	[tilespmem:s26], [sflag:$0x1] =	stream.indirect.gather [hbm4b:s5+s24], $0x80, s22, s24, $0xb8;
	[tilespmem:$0x1A4F0] =	vst v63  }
0x96: {  	_ =	swait.ge [sflag:s28], $0x2800  }
0x97: {  	[sflag:s28] =	ssyncset.done $0x0  }
0x98: {  	[sflag:s28] =	ssyncadd.s32 $0xFFFFD800  }
0x99: {  	[spmem:s2] =	stream.indirect.scatter.add.f32 [tilespmem:s26], [sflag:$0x2], $0x80, s23, s24, $0xb8;
	[tilespmem:$0x1A4F0] =	vst v63  }
0x9a: {  	_ =	swait.ge [sflag:s21], $0x2800  }
.Ltmp1:
0x9b: {  	[sflag:s21] =	ssyncset.done $0x0;
	(pc) =	sbr.rel @p1 .LBB2_4-.Ltmp1, $4  }
0x9c: {  	[sflag:s21] =	ssyncadd.s32 $0xFFFFD800  }
0x9d: {  	[spmem:s3] =	stream.indirect.scatter.add.f32 [tilespmem:s29], [sflag:$0x2], $0x1, s23, s24, $0xb8;
	[tilespmem:$0x1A4F0] =	vst v63  }
0x9e: {  	_ =	swait.ge [sflag:s21], $0x50  }
0x9f: {  	s1 =	smov.u32 s7;
	[sflag:s21] =	ssyncset.done $0x0  }
0xa0: {  	s0 =	sadd.s32 s31, s19;
	[sflag:s21] =	ssyncadd.s32 $0xFFFFFFB0  }
0xa1: {  	[tilespmem:s22], [sflag:$0x2] =	stream.linear.gather [hbm4b:s0+s4], $0x50, $0x38;
	[tilespmem:$0x1A4F0] =	vst v63  }
0xa2: {  	_ =	swait.ge [sflag:s21], $0x50  }
0xa3: {  	[sflag:s21] =	ssyncset.done $0x0  }
0xa4: {  	s7 =	sadd.s32 s31, s18;
	[sflag:s21] =	ssyncadd.s32 $0xFFFFFFB0  }
0xa5: {  	[tilespmem:s23], [sflag:$0x2] =	stream.linear.gather [hbm4b:s7+s4], $0x50, $0x38;
	[tilespmem:$0x1A4F0] =	vst v63  }
0xa6: {  	_ =	swait.ge [sflag:s21], $0x50  }
0xa7: {  	[sflag:s21] =	ssyncset.done $0x0  }
0xa8: {  	[sflag:s21] =	ssyncadd.s32 $0xFFFFFFB0  }
0xa9: {  	[tilespmem:s26], [sflag:$0x1] =	stream.indirect.gather [hbm4b:s5+s24], $0x80, s22, s24, $0xb8;
	[tilespmem:$0x1A4F0] =	vst v63  }
0xaa: {  	_ =	swait.ge [sflag:s28], $0x2800  }
0xab: {  	[sflag:s28] =	ssyncset.done $0x0  }
0xac: {  	[sflag:s28] =	ssyncadd.s32 $0xFFFFD800  }
0xad: {  	[spmem:s2] =	stream.indirect.scatter.add.f32 [tilespmem:s26], [sflag:$0x2], $0x80, s23, s24, $0xb8;
	[tilespmem:$0x1A4F0] =	vst v63  }
0xae: {  	_ =	swait.ge [sflag:s21], $0x2800  }
0xaf: {  	[sflag:s21] =	ssyncset.done $0x0  }
0xb0: {  	[sflag:s21] =	ssyncadd.s32 $0xFFFFD800  }
0xb1: {  	[spmem:s3] =	stream.indirect.scatter.add.f32 [tilespmem:s29], [sflag:$0x2], $0x1, s23, s24, $0xb8;
	[tilespmem:$0x1A4F0] =	vst v63  }
0xb2: {  	_ =	swait.ge [sflag:s21], $0x50  }
0xb3: {  	s1 =	stileid.u32;
	[sflag:s21] =	ssyncset.done $0x0  }
0xb4: {  	s0 =	sshll.u32 @!p0 s1, $0x6;
	[sflag:s21] =	ssyncadd.s32 $0xFFFFFFB0  }
0xb5: {  	s0 =	sor.u32 @!p0 $0x1C02, s0;
	[bflag:$0x0] =	sbarrier.arrive $0xFFFF  }
0xb6: {  	[hbm:s15], [sflag:s0] =	dma.local @!p0 [spmem:s25], $0x3E80  }
0xb7: {  	s0 =	simm.s32 @!p0 $0x2  }
0xb8: {  	s31 =	sshrl.u32 s14, $0x3;
	s30 =	sadd.s32 $0x1, s30;
	_ =	swait.ge @!p0 [sflag:s0], $0x3E80  }
0xb9: {  	s1 =	sshll.u32 s1, $0x6;
	p1 =	sne.s32 s30, s17;
	[sflag:s0] =	ssyncset.done @!p0 $0x0  }
.Ltmp2:
0xba: {  	s20 =	sor.u32 $0x1C02, s1;
	[sflag:s0] =	ssyncadd.s32 @!p0 $0xFFFFC180;
	(pc) =	sbr.rel @p1 .LBB2_1-.Ltmp2, $4  }
0xbb: {  	[hbm:s16], [sflag:s20] =	dma.local [spmem:s31], $0x50  }
0xbc: {  	_ =	swait.ge [sflag:s21], $0x50  }
0xbd: {  	[sflag:s21] =	ssyncset.done $0x0  }
0xbe: {  	s7 =	stileid.u32;
	[sflag:s21] =	ssyncadd.s32 $0xFFFFFFB0  }
0xbf: {  	_ =	sfence.sel $0x180000  }
0xc0: {  	[bflag:$0x0] =	sbarrier.arrive $0xFFFF  }
0xc1: {  	_ =	strace $0x90000047  }
0xc2: {  	[bflag:$0x2] =	sbarrier.arrive $0xFFFF  }
0xc3: {  	p0 =	sne.s32 s7, $0x0;
	s0 =	rddreg [dreg:$0x4]  }
0xc4: {  	s0 =	sadd.s32 @!p0 $0x100000, s0  }
0xc5: {  	[sflag:s0] =	ssyncadd.tile.s32 @!p0 $0x1;
	_ =	shalt  }
.Lfunc_end2:
_tile_overlayer_lowered:
.L_overlay_start_2:
0xc6: {  	(tag) =	ssettag $0x2  }
0xc7: {  	s0 =	rddreg [dreg:$0x0];
	s2 =	stileid.u32  }
0xc8: {  	s1 =	rddreg [dreg:$0x1];
	p0 =	sne.s32 s2, $0x0  }
0xc9: {  	s3 =	rddreg [dreg:$0x2];
	[bflag:$0x3] =	sbarrier.arrive $0xFFFF;
	s2 =	simm.s32 @!p0 $0x1C02  }
0xca: {  	[timem:s3], [sflag:s2] =	dma.local @!p0 [hbm:s0], s1  }
0xcb: {  	s0 =	simm.s32 @!p0 $0x2  }
0xcc: {  	_ =	swait.ge @!p0 [sflag:s0], s1  }
0xcd: {  	s1 =	ssub.s32 @!p0 $0x0, s1;
	[sflag:s0] =	ssyncset.done @!p0 $0x0  }
0xce: {  	[sflag:s0] =	ssyncadd.s32 @!p0 s1  }
0xcf: {  	[bflag:$0x3] =	sbarrier.arrive $0xFFFF  }
0xd0: {  	_ =	shalt  }

// kernel: sc_segsum_d64.3.cloned.1.call-start
scs
__scs_entry_jumppad:
0x0: {  	(pc) =	sbr.rel $0x88, $3  }
0x1: {  	(tag) =	ssettag $0x0;
	lr =	simm.s32 $0x1  }
0x2: {  	[smem:$0x3F98] =	sst lr;
	_ =	strace $0xD0000000  }
0x3: {  	_ = 	snop  }
0x4: {  	_ = 	snop  }
0x5: {  	_ = 	snop  }
0x6: {  	_ = 	snop  }
0x7: {  	_ = 	snop  }
__scs_overlays_trampoline_lowered:
0x8: {  	[smem:$0x3FA7] =	sst s0  }
0x9: {  	[smem:$0x3FA8] =	sst s1  }
0xa: {  	[smem:$0x3FA9] =	sst s2  }
0xb: {  	[smem:$0x3FAA] =	sst s3  }
0xc: {  	[smem:$0x3FAB] =	sst s4  }
0xd: {  	[smem:$0x3FAC] =	sst s5  }
0xe: {  	[smem:$0x3FAD] =	sst s6  }
0xf: {  	[smem:$0x3FAE] =	sst s7  }
0x10: {  	[smem:$0x3FAF] =	sst s8  }
0x11: {  	[smem:$0x3FB0] =	sst s9;
	s0 =	simm.s32 @!p0 $0x0  }
0x12: {  	s1 =	sld [smem:$0x3F96];
	s0 =	simm.s32 @p0 $0x1  }
0x13: {  	[smem:$0x3FB1] =	sst s0;
	s0 =	simm.s32 @!p1 $0x0  }
0x14: {  	s2 =	sld [smem:$0x3F95];
	s0 =	simm.s32 @p1 $0x1  }
0x15: {  	[smem:$0x3FB2] =	sst s0;
	s0 =	simm.s32 @!p2 $0x0  }
0x16: {  	s3 =	sld [smem:$0x3FDB];
	s0 =	simm.s32 @p2 $0x1  }
0x17: {  	s4 =	simm.s32 $0x1BF5;
	[smem:$0x3FB4] =	sst s0  }
0x18: {  	s0 =	sld [smem:$0x3F97];
	_ =	swait.ge [sflag:s4], $0x0  }
0x19: {  	s7 =	sld [smem:$0x3F98]  }
0x1a: {  	s8 =	sadd.s32 $0xFFFFE003, lr  }
0x1b: {  	s9 =	sadd.s32 $0xFFFFFEF7, lr;
	s5 =	simm.s32 $0xFFFFFFFF;
	p2 =	slt.u32 s8, $0xFFFFF086  }
0x1c: {  	p1 =	slt.u32 s9, $0xF7A;
	s5 =	simm.s32 @!p2 $0x0  }
0x1d: {  	s5 =	simm.s32 @p1 $0x1;
	p0 =	seq.s32 s7, s2  }
0x1e: {  	s7 =	smul.u32 @!p0 $0xF7A, s2;
	p2 =	seq.s32 @!p0 s5, $0x0  }
0x1f: {  	s9 =	smul.u32 $0xF7A, s1;
	s8 =	simm.s32 @!p0 $0x1BF5;
	p2 =	por !p2, p0  }
0x20: {  	[sflag:s8] =	ssyncset.s32 @!p0 $0xFFFFF086;
	s6 =	sadd.s32 @!p0 s3, s7;
	s7 =	simm.s32 @!p0 $0x108  }
0x21: {  	s3 =	sadd.s32 s3, s9;
	s6 =	sadd.s32 @!p0 $0x88, s6;
	s7 =	simm.s32 @p2 $0x1082  }
0x22: {  	[simem:s7], [sflag:s8] =	dma.local @!p0 [hbm:s6], $0xF7A  }
0x23: {  	s9 =	sor.u32 $0xD0000000, s2;
	s6 =	simm.s32 $0x108;
	_ =	swait.ge @!p0 [sflag:s8], $0x0  }
0x24: {  	s3 =	sadd.s32 $0x88, s3;
	s6 =	simm.s32 @!p1 $0x1082;
	[sflag:s4] =	ssyncset.s32 $0xFFFFF086  }
0x25: {  	[simem:s6], [sflag:s4] =	dma.local [hbm:s3], $0xF7A  }
0x26: {  	[smem:$0x3F98] =	sst s1;
	(tag) =	ssettag s2;
	_ =	strace s9  }
0x27: {  	s1 =	sld [smem:$0x3FA8]  }
0x28: {  	s2 =	sld [smem:$0x3FA9]  }
0x29: {  	s4 =	sld [smem:$0x3FAB]  }
0x2a: {  	p0 =	seq.s32 s5, $0x0;
	s5 =	sld [smem:$0x3FAC]  }
0x2b: {  	s6 =	sld [smem:$0x3FAD]  }
0x2c: {  	s7 =	sld [smem:$0x3FAE]  }
0x2d: {  	s3 =	simm.s32 $0x108;
	s8 =	sld [smem:$0x3FAF]  }
0x2e: {  	s3 =	simm.s32 @!p0 $0x1082;
	s9 =	sld [smem:$0x3FB0]  }
0x2f: {  	lr =	sadd.s32 s0, s3;
	s0 =	sld [smem:$0x3FA7]  }
0x30: {  	s3 =	sld [smem:$0x3FAA]  }
0x31: {  	[smem:$0x3FB3] =	sst s10  }
0x32: {  	s10 =	sld [smem:$0x3FB1];
	_ =	sdelay $0x3  }
0x33: {  	p0 =	seq.s32 s10, $0x1;
	s10 =	sld [smem:$0x3FB3];
	_ =	sdelay $0x3  }
0x34: {  	[smem:$0x3FB3] =	sst s10  }
0x35: {  	s10 =	sld [smem:$0x3FB2];
	_ =	sdelay $0x3  }
0x36: {  	p1 =	seq.s32 s10, $0x1;
	s10 =	sld [smem:$0x3FB3];
	_ =	sdelay $0x3  }
0x37: {  	[smem:$0x3FB3] =	sst s10  }
0x38: {  	s10 =	sld [smem:$0x3FB4]  }
0x39: {  	_ = 	snop;
	(pc) =	sbr.ind lr, $3  }
0x3a: {  	_ = 	snop  }
0x3b: {  	_ = 	snop  }
0x3c: {  	p2 =	seq.s32 s10, $0x1;
	s10 =	sld [smem:$0x3FB3]  }
0x3d: {  	_ =	shalt  }
0x3e: {  	_ =	shalt  }
0x3f: {  	_ =	shalt  }
0x40: {  	_ =	shalt  }
0x41: {  	_ =	shalt  }
0x42: {  	_ =	shalt  }
0x43: {  	_ =	shalt  }
0x44: {  	_ =	shalt  }
0x45: {  	_ =	shalt  }
0x46: {  	_ =	shalt  }
0x47: {  	_ =	shalt  }
0x48: {  	_ =	shalt  }
0x49: {  	_ =	shalt  }
0x4a: {  	_ =	shalt  }
0x4b: {  	_ =	shalt  }
0x4c: {  	_ =	shalt  }
0x4d: {  	_ =	shalt  }
0x4e: {  	_ =	shalt  }
0x4f: {  	_ =	shalt  }
0x50: {  	_ =	shalt  }
0x51: {  	_ =	shalt  }
0x52: {  	_ =	shalt  }
0x53: {  	_ =	shalt  }
0x54: {  	_ =	shalt  }
0x55: {  	_ =	shalt  }
0x56: {  	_ =	shalt  }
0x57: {  	_ =	shalt  }
0x58: {  	_ =	shalt  }
0x59: {  	_ =	shalt  }
0x5a: {  	_ =	shalt  }
0x5b: {  	_ =	shalt  }
0x5c: {  	_ =	shalt  }
0x5d: {  	_ =	shalt  }
0x5e: {  	_ =	shalt  }
0x5f: {  	_ =	shalt  }
0x60: {  	_ =	shalt  }
0x61: {  	_ =	shalt  }
0x62: {  	_ =	shalt  }
0x63: {  	_ =	shalt  }
0x64: {  	_ =	shalt  }
0x65: {  	_ =	shalt  }
0x66: {  	_ =	shalt  }
0x67: {  	_ =	shalt  }
0x68: {  	_ =	shalt  }
0x69: {  	_ =	shalt  }
0x6a: {  	_ =	shalt  }
0x6b: {  	_ =	shalt  }
0x6c: {  	_ =	shalt  }
0x6d: {  	_ =	shalt  }
0x6e: {  	_ =	shalt  }
0x6f: {  	_ =	shalt  }
0x70: {  	_ =	shalt  }
0x71: {  	_ =	shalt  }
0x72: {  	_ =	shalt  }
0x73: {  	_ =	shalt  }
0x74: {  	_ =	shalt  }
0x75: {  	_ =	shalt  }
0x76: {  	_ =	shalt  }
0x77: {  	_ =	shalt  }
0x78: {  	_ =	shalt  }
0x79: {  	_ =	shalt  }
0x7a: {  	_ =	shalt  }
0x7b: {  	_ =	shalt  }
0x7c: {  	_ =	shalt  }
0x7d: {  	_ =	shalt  }
0x7e: {  	_ =	shalt  }
0x7f: {  	_ =	shalt  }
0x80: {  	_ =	shalt  }
0x81: {  	_ =	shalt  }
0x82: {  	_ =	shalt  }
0x83: {  	_ =	shalt  }
0x84: {  	_ =	shalt  }
0x85: {  	_ =	shalt  }
0x86: {  	_ =	shalt  }
0x87: {  	_ =	shalt  }
.Lfunc_end0:
.L_simem_size_0:
called_computation.1_lowered:
.L_overlay_start_0:
0x88: {  	s2 =	sld [smem:$0x3FD9]  }
0x89: {  	s3 =	sld [smem:$0x3FFE];
	_ =	sdelay $0x1  }
0x8a: {  	s1 =	srdreg.scid  }
0x8b: {  	s0 =	sand.u32 $0x1, s1  }
0x8c: {  	s16 =	sshll.u32 s0, $0xA;
	s2 =	sadd.s32 s3, s2  }
0x8d: {  	s2 =	sadd.s32 s2, s16  }
0x8e: {  	[smem:$0x3FBF] =	sst s2  }
0x8f: {  	_ = 	snop  }
0x90: {  	(tm) =	ssettm $0x1  }
0x91: {  	s17 =	sld [smem:$0x3FFB];
	_ =	sdelay $0x3  }
0x92: {  	_ =	strace s17  }
0x93: {  	s2 =	sld [smem:$0x3FFC];
	_ =	sdelay $0x3  }
0x94: {  	_ =	strace s2  }
0x95: {  	s2 =	sld [smem:$0x3FFD];
	_ =	sdelay $0x3  }
0x96: {  	_ =	strace s2  }
0x97: {  	_ =	strace $0x8FFFFFFF  }
0x98: {  	s18 =	sld [smem:$0x3FDB];
	_ =	sdelay $0x1  }
0x99: {  	s19 =	simm.s32 $_scs_section_size  }
0x9a: {  	s4 =	simm.s32 $_size__tile_overlayer_lowered;
	s5 =	simm.s32 $_tile_overlayer_lowered  }
0x9b: {  	s22 =	simm.s32 $0x1BFF;
	s21 =	sshll.u32 s5, $0x1;
	s2 =	sadd.s32 s19, s18  }
0x9c: {  	s6 =	simm.s32 $0x0;
	s20 =	sshll.u32 s4, $0x1;
	s4 =	sadd.s32 s21, s2  }
0x9d: {  	[timem:s6], [sflag:s22] =	dma.local [hbm:s4], s20  }
0x9e: {  	_ =	swait.ge [sflag:s22], s20  }
0x9f: {  	s3 =	ssub.s32 $0x0, s20;
	[sflag:s22] =	ssyncset.done $0x0  }
0xa0: {  	[sflag:s22] =	ssyncadd.s32 s3;
	_ =	sdelay $0x1  }
0xa1: {  	s23 =	simm.s32 $0x1B8B  }
0xa2: {  	_ =	swait.ge [sflag:s23], $0x1  }
0xa3: {  	[sflag:s23] =	ssyncset.done $0x0  }
0xa4: {  	s25 =	simm.s32 $0x1B8E;
	s24 =	sld [smem:$0x3FFE];
	[sflag:s23] =	ssyncadd.s32 $0xFFFFFFFF  }
0xa5: {  	s26 =	simm.s32 $execute0_lowered;
	[smem:$0x3FD2] =	sst s25  }
0xa6: {  	s4 =	sshll.u32 s26, $0x1;
	_ =	strace $0x80000049;
	[dreg:$0x1] =	wrdreg $0xFFFFFFFF  }
0xa7: {  	s28 =	simm.s32 $_size_execute0_lowered;
	s2 =	sadd.s32 s2, s4;
	[dreg:$0x0] =	wrdreg $0x0  }
0xa8: {  	s4 =	sshll.u32 s28, $0x1;
	[dreg:$0x2] =	wrdreg s2  }
0xa9: {  	[dreg:$0x3] =	wrdreg s4  }
0xaa: {  	[dreg:$0x4] =	wrdreg $0xC0  }
0xab: {  	_ =	task [dreg:s6], $0x5FFFF  }
0xac: {  	[dreg:$0x1] =	wrdreg $0xFFFFFFFF  }
0xad: {  	[dreg:$0x0] =	wrdreg $0x60  }
0xae: {  	[dreg:$0x2] =	wrdreg s24  }
0xaf: {  	[dreg:$0x3] =	wrdreg $0x0  }
0xb0: {  	[dreg:$0x4] =	wrdreg $0x9  }
0xb1: {  	_ =	task.clear_ibuf [dreg:s6], $0x5FFFF;
	_ =	strace $0x90000049  }
0xb2: {  	s29 =	simm.s32 $0x9;
	_ =	strace $0x8000004B  }
0xb3: {  	_ =	swait.ge [sflag:s29], $0x1  }
0xb4: {  	[sflag:s29] =	ssyncadd.s32 $0xFFFFFFFF  }
0xb5: {  	_ =	strace $0x9000004B  }
0xb6: {  	_ =	sfence  }
0xb7: {  	s30 =	sld [smem:$0x0];
	_ =	sdelay $0x2  }
0xb8: {  	s31 =	sshll.u32 s1, $0xD;
	s1 =	sshrl.u32 s1, $0x2  }
0xb9: {  	s3 =	sand.u32 $0x4000, s31;
	s1 =	sadd.s32 s1, s30  }
0xba: {  	s0 =	sor.u32 s3, s0;
	s1 =	sshll.u32 s1, $0x11  }
0xbb: {  	s0 =	sor.u32 s1, s0  }
0xbc: {  	s0 =	sadd.s32 $0x8F2B, s0  }
0xbd: {  	[sflag:s0] =	ssyncadd.remote.s32 $0x1  }
0xbe: {  	_ =	sfence.sel $0xFFFF  }
0xbf: {  	[dreg:$0x0] =	wrdreg $0xFFFFFFFF;
	(pc) =	sbr.abs _section_cstart, $3  }
0xc0: {  	[dreg:$0x1] =	wrdreg $0xFFFFFFFF  }
0xc1: {  	_ =	task.clear_ibuf [dreg:s6], $0x2FFFF;
	_ =	strace $0x9FFFFFFF  }
0xc2: {  	(tm) =	ssettm $0x7FFFFFFF  }
0xc3: {  	_ =	shalt  }
tec
execute0_lowered:
.L_overlay_start_1:
0x0: {  	(tag) =	ssettag $0x1  }
0x1: {  	s5 =	rddreg [dreg:$0x0];
	s0 =	srdreg.scid  }
0x2: {  	s2 =	rddreg [dreg:$0x1];
	s1 =	stileid.u32;
	s3 =	simm.s32 $0x0  }
0x3: {  	s17 =	simm.s32 $0xBB80;
	s18 =	simm.s32 $0x2;
	s19 =	simm.s32 $0xBBD0  }
0x4: {  	s20 =	simm.s32 $0x50;
	s21 =	simm.s32 $0xBC20;
	s7 =	smul.u32 $0x2710, s1  }
0x5: {  	s22 =	simm.s32 $0x1;
	s24 =	simm.s32 $0x0;
	s14 =	smul.u32 $0xFA00, s1  }
0x6: {  	s6 =	sand.u32 $0x1, s0;
	s0 =	rddreg [dreg:$0x2];
	s9 =	smul.u32 $0x3E800, s1  }
0x7: {  	[smem:$0x7FF] =	sst s3;
	p0 =	sgt.u32 s1, $0x9;
	s4 =	smul.u32 $0x27100, s6  }
0x8: {  	s8 =	smul.u32 $0x9C400, s6;
	_ =	strace $0x8000004A;
	s6 =	ssub.s32 $0x2, s6  }
0x9: {  	s31 =	sshrl.u32 s6, $0x1;
	s9 =	sshrl.u32 s9, $0x2;
	s23 =	sadd.s32 s14, s2  }
0xa: {  	s7 =	sadd.s32 s7, s4;
	s4 =	sadd.s32 $0x14A00, s5;
	s30 =	sadd.s32 s14, s8  }
0xb: {  	s15 =	ssub.s32 s6, s31;
	s23 =	sshrl.u32 @!p0 s23, $0x3;
	s7 =	sshrl.u32 s7, $0x3  }
0xc: {  	s14 =	smax.u32 s15, $0x1;
	s16 =	sadd.s32 s7, s5;
	s7 =	sshrl.u32 s30, $0x3  }
0xd: {  	s13 =	sadd.s32 s7, s5;
	s5 =	sadd.s32 s9, s2;
	s15 =	sadd.s32 $0xE00, s16  }
0xe: {  	s16 =	sadd.s32 $0xAC00, s16;
	s6 =	sadd.s32 $0x1F40, s5;
	s7 =	sadd.s32 $0x3E80, s5  }
0xf: {  	s8 =	sadd.s32 $0x5DC0, s5;
	s9 =	sadd.s32 $0x7D00, s5;
	s10 =	sadd.s32 $0x9C40, s5  }
0x10: {  	v0 =	vimm.f32 $0.0e+00;
	s11 =	sadd.s32 $0xBB80, s5;
	s12 =	sadd.s32 $0xDAC0, s5;
	s13 =	sadd.s32 $0x28400, s13  }
.LBB2_1:
0x11: {  	s26 =	simm.s32 $0x100;
	s25 =	simm.s32 $0x0  }
.LBB2_2:
0x12: {  	p1 =	sne.s32 s26, $0x7C00;
	[tilespmem:s25+$0x9C70] =	vst v0;
	s28 =	smov.u32 s26;
	s26 =	sadd.s32 $0x100, s26  }
.Ltmp0:
0x13: {  	[tilespmem:s25+$0x9C60] =	vst v0;
	(pc) =	sbr.rel @p1 .LBB2_2-.Ltmp0, $3  }
0x14: {  	[tilespmem:s25+$0x9C40] =	vst v0  }
0x15: {  	[tilespmem:s25+$0x9C50] =	vst v0;
	_ =	sdelay $0x1  }
0x16: {  	s25 =	sshra.s32 s28, $0x2  }
0x17: {  	[tilespmem:s25+$0x9C70] =	vst v0  }
0x18: {  	[tilespmem:s25+$0x9C60] =	vst v0  }
0x19: {  	[tilespmem:s25+$0x9C40] =	vst v0  }
0x1a: {  	[tilespmem:s25+$0x9C50] =	vst v0;
	s25 =	simm.s32 @!p0 $0x9C40;
	s26 =	simm.s32 @!p0 $0x2  }
0x1b: {  	[spmem:s5] =	stream.linear.scatter @!p0 [tilespmem:s25], [sflag:$0x2], $0x1F40, $0x38;
	[tilespmem:$0xD020] =	vst v63  }
0x1c: {  	_ =	swait.ge @!p0 [sflag:s26], $0x1F40  }
0x1d: {  	[sflag:s26] =	ssyncset.done @!p0 $0x0  }
0x1e: {  	[sflag:s26] =	ssyncadd.s32 @!p0 $0xFFFFE0C0  }
0x1f: {  	[spmem:s6] =	stream.linear.scatter @!p0 [tilespmem:s25], [sflag:$0x2], $0x1F40, $0x38;
	[tilespmem:$0xD020] =	vst v63  }
0x20: {  	_ =	swait.ge @!p0 [sflag:s26], $0x1F40  }
0x21: {  	[sflag:s26] =	ssyncset.done @!p0 $0x0  }
0x22: {  	[sflag:s26] =	ssyncadd.s32 @!p0 $0xFFFFE0C0  }
0x23: {  	[spmem:s7] =	stream.linear.scatter @!p0 [tilespmem:s25], [sflag:$0x2], $0x1F40, $0x38;
	[tilespmem:$0xD020] =	vst v63  }
0x24: {  	_ =	swait.ge @!p0 [sflag:s26], $0x1F40  }
0x25: {  	[sflag:s26] =	ssyncset.done @!p0 $0x0  }
0x26: {  	[sflag:s26] =	ssyncadd.s32 @!p0 $0xFFFFE0C0  }
0x27: {  	[spmem:s8] =	stream.linear.scatter @!p0 [tilespmem:s25], [sflag:$0x2], $0x1F40, $0x38;
	[tilespmem:$0xD020] =	vst v63  }
0x28: {  	_ =	swait.ge @!p0 [sflag:s26], $0x1F40  }
0x29: {  	[sflag:s26] =	ssyncset.done @!p0 $0x0  }
0x2a: {  	[sflag:s26] =	ssyncadd.s32 @!p0 $0xFFFFE0C0  }
0x2b: {  	[spmem:s9] =	stream.linear.scatter @!p0 [tilespmem:s25], [sflag:$0x2], $0x1F40, $0x38;
	[tilespmem:$0xD020] =	vst v63  }
0x2c: {  	_ =	swait.ge @!p0 [sflag:s26], $0x1F40  }
0x2d: {  	[sflag:s26] =	ssyncset.done @!p0 $0x0  }
0x2e: {  	[sflag:s26] =	ssyncadd.s32 @!p0 $0xFFFFE0C0  }
0x2f: {  	[spmem:s10] =	stream.linear.scatter @!p0 [tilespmem:s25], [sflag:$0x2], $0x1F40, $0x38;
	[tilespmem:$0xD020] =	vst v63  }
0x30: {  	_ =	swait.ge @!p0 [sflag:s26], $0x1F40  }
0x31: {  	[sflag:s26] =	ssyncset.done @!p0 $0x0  }
0x32: {  	[sflag:s26] =	ssyncadd.s32 @!p0 $0xFFFFE0C0  }
0x33: {  	[spmem:s11] =	stream.linear.scatter @!p0 [tilespmem:s25], [sflag:$0x2], $0x1F40, $0x38;
	[tilespmem:$0xD020] =	vst v63  }
0x34: {  	_ =	swait.ge @!p0 [sflag:s26], $0x1F40  }
0x35: {  	[sflag:s26] =	ssyncset.done @!p0 $0x0  }
0x36: {  	[sflag:s26] =	ssyncadd.s32 @!p0 $0xFFFFE0C0  }
0x37: {  	[spmem:s12] =	stream.linear.scatter @!p0 [tilespmem:s25], [sflag:$0x2], $0x1F40, $0x38;
	[tilespmem:$0xD020] =	vst v63  }
0x38: {  	_ =	swait.ge @!p0 [sflag:s26], $0x1F40  }
0x39: {  	[sflag:s26] =	ssyncset.done @!p0 $0x0  }
0x3a: {  	[sflag:s26] =	ssyncadd.s32 @!p0 $0xFFFFE0C0  }
0x3b: {  	s30 =	sadd.s32 $0x0, s16;
	[bflag:$0x0] =	sbarrier.arrive $0xFFFF  }
0x3c: {  	[tilespmem:s17], [sflag:$0x2] =	stream.linear.gather [hbm4b:s30+s3], $0x50, $0x38;
	[tilespmem:$0xD020] =	vst v63  }
0x3d: {  	_ =	swait.ge [sflag:s18], $0x50  }
0x3e: {  	[sflag:s18] =	ssyncset.done $0x0  }
0x3f: {  	s31 =	sadd.s32 $0x0, s15;
	[sflag:s18] =	ssyncadd.s32 $0xFFFFFFB0  }
0x40: {  	[tilespmem:s19], [sflag:$0x2] =	stream.linear.gather [hbm4b:s31+s3], $0x50, $0x38;
	[tilespmem:$0xD020] =	vst v63  }
0x41: {  	_ =	swait.ge [sflag:s18], $0x50  }
0x42: {  	[sflag:s18] =	ssyncset.done $0x0  }
0x43: {  	[sflag:s18] =	ssyncadd.s32 $0xFFFFFFB0  }
0x44: {  	[tilespmem:s21], [sflag:$0x1] =	stream.indirect.gather [hbm4b:s4+s20], $0x40, s17, s20, $0xb8;
	[tilespmem:$0xD020] =	vst v63  }
0x45: {  	_ =	swait.ge [sflag:s22], $0x1400  }
0x46: {  	[sflag:s22] =	ssyncset.done $0x0  }
0x47: {  	[sflag:s22] =	ssyncadd.s32 $0xFFFFEC00  }
0x48: {  	[spmem:s2] =	stream.indirect.scatter.add.f32 [tilespmem:s21], [sflag:$0x2], $0x40, s19, s20, $0xb8;
	[tilespmem:$0xD020] =	vst v63  }
0x49: {  	_ =	swait.ge [sflag:s18], $0x1400  }
0x4a: {  	s25 =	simm.s32 $0xA;
	s26 =	simm.s32 $0x14;
	[sflag:s18] =	ssyncset.done $0x0  }
.LBB2_4:
0x4b: {  	s28 =	sadd.s32 s25, s16  }
0x4c: {  	[sflag:s18] =	ssyncadd.s32 $0xFFFFEC00;
	s29 =	smov.u32 s26;
	s30 =	sadd.s32 $0xA, s26  }
0x4d: {  	[tilespmem:s17], [sflag:$0x2] =	stream.linear.gather [hbm4b:s28+s3], $0x50, $0x38;
	[tilespmem:$0xD020] =	vst v63  }
0x4e: {  	p1 =	sne.s32 s26, $0x4D8;
	_ =	swait.ge [sflag:s18], $0x50  }
0x4f: {  	[sflag:s18] =	ssyncset.done $0x0  }
0x50: {  	s26 =	sadd.s32 s25, s15;
	s25 =	smov.u32 s29;
	[sflag:s18] =	ssyncadd.s32 $0xFFFFFFB0  }
0x51: {  	[tilespmem:s19], [sflag:$0x2] =	stream.linear.gather [hbm4b:s26+s3], $0x50, $0x38;
	[tilespmem:$0xD020] =	vst v63  }
0x52: {  	_ =	swait.ge [sflag:s18], $0x50  }
0x53: {  	[sflag:s18] =	ssyncset.done $0x0  }
0x54: {  	[sflag:s18] =	ssyncadd.s32 $0xFFFFFFB0  }
0x55: {  	[tilespmem:s21], [sflag:$0x1] =	stream.indirect.gather [hbm4b:s4+s20], $0x40, s17, s20, $0xb8;
	[tilespmem:$0xD020] =	vst v63  }
0x56: {  	_ =	swait.ge [sflag:s22], $0x1400  }
.Ltmp1:
0x57: {  	[sflag:s22] =	ssyncset.done $0x0;
	(pc) =	sbr.rel @p1 .LBB2_4-.Ltmp1, $4  }
0x58: {  	[sflag:s22] =	ssyncadd.s32 $0xFFFFEC00  }
0x59: {  	[spmem:s2] =	stream.indirect.scatter.add.f32 [tilespmem:s21], [sflag:$0x2], $0x40, s19, s20, $0xb8;
	[tilespmem:$0xD020] =	vst v63  }
0x5a: {  	_ =	swait.ge [sflag:s18], $0x1400  }
0x5b: {  	s26 =	smov.u32 s30;
	[sflag:s18] =	ssyncset.done $0x0  }
0x5c: {  	s26 =	sadd.s32 s25, s16;
	[sflag:s18] =	ssyncadd.s32 $0xFFFFEC00  }
0x5d: {  	[tilespmem:s17], [sflag:$0x2] =	stream.linear.gather [hbm4b:s26+s3], $0x50, $0x38;
	[tilespmem:$0xD020] =	vst v63  }
0x5e: {  	_ =	swait.ge [sflag:s18], $0x50  }
0x5f: {  	[sflag:s18] =	ssyncset.done $0x0  }
0x60: {  	s31 =	sadd.s32 s25, s15;
	[sflag:s18] =	ssyncadd.s32 $0xFFFFFFB0  }
0x61: {  	[tilespmem:s19], [sflag:$0x2] =	stream.linear.gather [hbm4b:s31+s3], $0x50, $0x38;
	[tilespmem:$0xD020] =	vst v63  }
0x62: {  	_ =	swait.ge [sflag:s18], $0x50  }
0x63: {  	[sflag:s18] =	ssyncset.done $0x0  }
0x64: {  	[sflag:s18] =	ssyncadd.s32 $0xFFFFFFB0  }
0x65: {  	[tilespmem:s21], [sflag:$0x1] =	stream.indirect.gather [hbm4b:s4+s20], $0x40, s17, s20, $0xb8;
	[tilespmem:$0xD020] =	vst v63  }
0x66: {  	_ =	swait.ge [sflag:s22], $0x1400  }
0x67: {  	[sflag:s22] =	ssyncset.done $0x0  }
0x68: {  	[sflag:s22] =	ssyncadd.s32 $0xFFFFEC00  }
0x69: {  	[spmem:s2] =	stream.indirect.scatter.add.f32 [tilespmem:s21], [sflag:$0x2], $0x40, s19, s20, $0xb8;
	[tilespmem:$0xD020] =	vst v63  }
0x6a: {  	_ =	swait.ge [sflag:s18], $0x1400  }
0x6b: {  	[sflag:s18] =	ssyncset.done $0x0  }
0x6c: {  	s25 =	sshll.u32 @!p0 s1, $0x6;
	s24 =	sadd.s32 $0x1, s24;
	[sflag:s18] =	ssyncadd.s32 $0xFFFFEC00  }
0x6d: {  	s25 =	sor.u32 @!p0 $0x1C02, s25;
	p1 =	sne.s32 s24, s14;
	[bflag:$0x0] =	sbarrier.arrive $0xFFFF  }
0x6e: {  	[hbm:s13], [sflag:s25] =	dma.local @!p0 [spmem:s23], $0x1F40  }
.Ltmp2:
0x6f: {  	_ = 	snop;
	(pc) =	sbr.rel @p1 .LBB2_1-.Ltmp2, $4  }
0x70: {  	s25 =	simm.s32 @!p0 $0x2  }
0x71: {  	_ =	swait.ge @!p0 [sflag:s25], $0x1F40  }
0x72: {  	[sflag:s25] =	ssyncset.done @!p0 $0x0  }
0x73: {  	[sflag:s25] =	ssyncadd.s32 @!p0 $0xFFFFE0C0  }
0x74: {  	_ =	sfence.sel $0x180000  }
0x75: {  	[bflag:$0x0] =	sbarrier.arrive $0xFFFF  }
0x76: {  	p0 =	sne.s32 s1, $0x0;
	_ =	strace $0x9000004A  }
0x77: {  	s0 =	sadd.s32 @!p0 $0x100000, s0;
	[bflag:$0x2] =	sbarrier.arrive $0xFFFF  }
0x78: {  	[sflag:s0] =	ssyncadd.tile.s32 @!p0 $0x1;
	_ =	shalt  }
.Lfunc_end2:
_tile_overlayer_lowered:
.L_overlay_start_2:
0x79: {  	(tag) =	ssettag $0x2  }
0x7a: {  	s0 =	rddreg [dreg:$0x0];
	s2 =	stileid.u32  }
0x7b: {  	s1 =	rddreg [dreg:$0x1];
	p0 =	sne.s32 s2, $0x0  }
0x7c: {  	s3 =	rddreg [dreg:$0x2];
	[bflag:$0x3] =	sbarrier.arrive $0xFFFF;
	s2 =	simm.s32 @!p0 $0x1C02  }
0x7d: {  	[timem:s3], [sflag:s2] =	dma.local @!p0 [hbm:s0], s1  }
0x7e: {  	s0 =	simm.s32 @!p0 $0x2  }
0x7f: {  	_ =	swait.ge @!p0 [sflag:s0], s1  }
0x80: {  	s1 =	ssub.s32 @!p0 $0x0, s1;
	[sflag:s0] =	ssyncset.done @!p0 $0x0  }
0x81: {  	[sflag:s0] =	ssyncadd.s32 @!p0 s1  }
0x82: {  	[bflag:$0x3] =	sbarrier.arrive $0xFFFF  }
0x83: {  	_ =	shalt  }

</sc_bundles>
